<compile_context>
chip_gen: v7x
topology: tpu7x:2x2x1
jax: 0.10.2.dev20260603
libtpu: 0.0.44.dev20260713+nightly
codegen_flags: <defaults>
</compile_context>

<pallas_src>
import functools

import jax
import jax.numpy as jnp
from jax import lax
from jax.experimental import pallas as pl
from jax.experimental.pallas import tpu as pltpu
from jax.experimental.pallas import tpu_sc as plsc

T = 576
B = 64
C = 768
KEEP = 144

NC = 2
NS = 16
NW = NC * NS

N_FWD = T * B
N_VIS = KEEP * B
VIS_PER_W = N_VIS // NW
BATCH_PER_W = B // NW
COL_PER_W = BATCH_PER_W * T

CHUNK = 24
N_CHUNK = VIS_PER_W // CHUNK
NBUF = 4
N_OUTER = N_CHUNK // NBUF


def _body(patches_hbm, fwd_hbm, vis_hbm, bwd_hbm,
          fwdv, col, fwd_b, gidx, bufs, sem_f, sem_b, sem_s, sem_g, wsems):
    wid = lax.axis_index("s") * NC + lax.axis_index("c")
    lane = lax.iota(jnp.int32, 16)

    sload = pltpu.async_copy(
        fwd_hbm.at[pl.ds(wid * VIS_PER_W, VIS_PER_W)], fwd_b, sem_b)
    fload = pltpu.async_copy(fwd_hbm, fwdv, sem_f)
    sload.wait()

    def body_b(j, carry):
        e = wid * VIS_PER_W + j * 16 + lane
        f = fwd_b[pl.ds(j * 16, 16)]
        gidx[pl.ds(j * 16, 16)] = f * B + e % B
        return carry

    lax.fori_loop(0, VIS_PER_W // 16, body_b, 0)

    def gather(k, r):
        return pltpu.async_copy(
            patches_hbm.at[gidx.at[pl.ds(k * CHUNK, CHUNK)]],
            bufs[r], sem_g)

    def write(k, r):
        return pltpu.async_copy(
            bufs[r],
            vis_hbm.at[pl.ds(wid * VIS_PER_W + k * CHUNK, CHUNK)],
            wsems[r])

    for r in range(NBUF):
        gather(r, r)

    def wait_gather(r):
        pltpu.make_async_copy(
            patches_hbm.at[pl.ds(0, CHUNK)], bufs[r], sem_g).wait()

    def wait_write(r):
        pltpu.make_async_copy(
            bufs[r], vis_hbm.at[pl.ds(0, CHUNK)], wsems[r]).wait()

    def outer(o, carry):
        for r in range(NBUF):
            k = o * NBUF + r
            wait_gather(r)
            rp = (r - 1) % NBUF

            @pl.when(k >= 1)
            def _():
                wait_write(rp)

            @pl.when(jnp.logical_and(k >= 1, k - 1 + NBUF < N_CHUNK))
            def _():
                gather(k - 1 + NBUF, rp)

            write(k, r)
        return carry

    fload.wait()

    def body_a(j, carry):
        e = j * 16 + lane
        i_vec = e % T
        par = e // T
        b_vec = wid * BATCH_PER_W + par
        f = plsc.load_gather(fwdv, [i_vec * B + b_vec])
        plsc.store_scatter(col, [par * T + f], i_vec)
        return carry

    lax.fori_loop(0, COL_PER_W // 16, body_a, 0)
    scat = pltpu.async_copy(
        col, bwd_hbm.at[pl.ds(wid * COL_PER_W, COL_PER_W)], sem_s)

    lax.fori_loop(0, N_OUTER, outer, 0)
    wait_write((N_CHUNK - 1) % NBUF)
    scat.wait()


@functools.partial(
    pl.kernel,
    out_type=[
        jax.ShapeDtypeStruct((N_VIS, C), jnp.float32),
        jax.ShapeDtypeStruct((N_FWD,), jnp.int32),
    ],
    mesh=plsc.VectorSubcoreMesh(core_axis_name="c", subcore_axis_name="s"),
    compiler_params=pltpu.CompilerParams(needs_layout_passes=False),
    scratch_types=[
        pltpu.VMEM((N_FWD,), jnp.int32),
        pltpu.VMEM((COL_PER_W,), jnp.int32),
        pltpu.VMEM((VIS_PER_W,), jnp.int32),
        pltpu.VMEM((VIS_PER_W,), jnp.int32),
        [pltpu.VMEM((CHUNK, C), jnp.float32) for _ in range(NBUF)],
        pltpu.SemaphoreType.DMA,
        pltpu.SemaphoreType.DMA,
        pltpu.SemaphoreType.DMA,
        pltpu.SemaphoreType.DMA,
        [pltpu.SemaphoreType.DMA for _ in range(NBUF)],
    ],
)
def _patch_shuffle(patches_hbm, fwd_hbm, vis_hbm, bwd_hbm, *rest):
    _body(patches_hbm, fwd_hbm, vis_hbm, bwd_hbm, *rest)


def kernel(patches, forward_indexes):
    p_flat = patches.reshape(T * B, C)
    f_flat = forward_indexes.reshape(N_FWD)
    vis_flat, bwd_t = _patch_shuffle(p_flat, f_flat)
    return (vis_flat.reshape(KEEP, B, C), forward_indexes,
            bwd_t.reshape(B, T).T)

# --- scband reference (transcript-rebuilt; emitter-appended) ---
"""Pipeline reference for scband-patch-shuffle-62955630625337 (READ-ONLY COPY).

The authoritative reference and input builder live on the scoring server;
editing this copy changes nothing except your own understanding.
"""

import jax, jax.numpy as jnp
import numpy as np

T, B, C = 576, 64, 768
RATIO = 0.75


def setup_inputs(seed: int = 0) -> dict:
    key = jax.random.key(seed)
    k1, k2 = jax.random.split(key)
    patches = jax.random.normal(k1, (T, B, C), dtype=jnp.float32)
    # per-batch random permutations of [0, T), stacked as (T, B) -- the
    # internal numpy RNG of the torch module is materialized here as an input
    perms = jnp.stack(
        [jax.random.permutation(jax.random.fold_in(k2, b), T) for b in range(B)],
        axis=-1,
    ).astype(jnp.int32)
    return {"patches": patches, "forward_indexes": perms}


def reference(patches, forward_indexes):
    t, b, c = patches.shape
    keep_T = int(t * (1.0 - RATIO))
    # backward indexes = argsort of forward permutation (inverse mapping)
    backward_indexes = jnp.argsort(forward_indexes, axis=0)
    # take_indexes: gather along patch (axis 0) dim, broadcast over channels
    shuffled = jnp.take_along_axis(patches, forward_indexes[:, :, None], axis=0)
    visible = shuffled[:keep_T]
    return (visible, forward_indexes, backward_indexes)

if __name__ == "__main__":
    import jax
    _d = setup_inputs()
    print(jax.jit(kernel)(*tuple(_d.values())))

</pallas_src>

<mosaic_0001>
#map = affine_map<(d0, d1) -> (0, 0)>
#map1 = affine_map<(d0, d1) -> (0)>
module attributes {stable_mosaic.version = 14 : i64} {
  func.func @_patch_shuffle(%arg0: i32, %arg1: i32, %arg2: memref<36864x768xf32, #tpu.memory_space<hbm>>, %arg3: memref<36864xi32, #tpu.memory_space<hbm>>, %arg4: memref<9216x768xf32, #tpu.memory_space<hbm>>, %arg5: memref<36864xi32, #tpu.memory_space<hbm>>, %arg6: memref<36864xi32, #tpu.memory_space<vmem>>, %arg7: memref<1152xi32, #tpu.memory_space<vmem>>, %arg8: memref<288xi32, #tpu.memory_space<vmem>>, %arg9: memref<288xi32, #tpu.memory_space<vmem>>, %arg10: memref<24x768xf32, #tpu.memory_space<vmem>>, %arg11: memref<24x768xf32, #tpu.memory_space<vmem>>, %arg12: memref<24x768xf32, #tpu.memory_space<vmem>>, %arg13: memref<24x768xf32, #tpu.memory_space<vmem>>, %arg14: memref<!tpu.dma_semaphore, #tpu.memory_space<semaphore_mem>>, %arg15: memref<!tpu.dma_semaphore, #tpu.memory_space<semaphore_mem>>, %arg16: memref<!tpu.dma_semaphore, #tpu.memory_space<semaphore_mem>>, %arg17: memref<!tpu.dma_semaphore, #tpu.memory_space<semaphore_mem>>, %arg18: memref<!tpu.dma_semaphore, #tpu.memory_space<semaphore_mem>>, %arg19: memref<!tpu.dma_semaphore, #tpu.memory_space<semaphore_mem>>, %arg20: memref<!tpu.dma_semaphore, #tpu.memory_space<semaphore_mem>>, %arg21: memref<!tpu.dma_semaphore, #tpu.memory_space<semaphore_mem>>) attributes {dimension_semantics = [#tpu.dimension_semantics<core_parallel>, #tpu.dimension_semantics<subcore_parallel>], iteration_bounds = array<i64: 2, 16>, scalar_prefetch = 0 : i64, scratch_operands = 16 : i64, tpu.core_type = #tpu.core_type<sc_vector_subcore>, window_params = [{transform_indices = #map}, {transform_indices = #map1}, {transform_indices = #map}, {transform_indices = #map1}]} {
    %mul3A = arith.constant 2 : i32
    %mul3A_0 = arith.muli %arg1, %mul3A : i32
    %add3A = arith.addi %mul3A_0, %arg0 : i32
    %iota3A = tpu.iota {dimensions = array<i32: 0>} : vector<16xi32>
    %mul3A_1 = arith.constant 288 : i32
    %mul3A_2 = arith.muli %add3A, %mul3A_1 : i32
    %dma_start3A = tpu.memref_slice %arg3[%mul3A_2] : memref<36864xi32, #tpu.memory_space<hbm>> -> memref<288xi32, #tpu.memory_space<hbm>>
    %dma_start3A_3 = tpu.memref_slice %arg3[%mul3A_2] : memref<36864xi32, #tpu.memory_space<hbm>> -> memref<288xi32, #tpu.memory_space<hbm>>
    tpu.enqueue_dma source(%dma_start3A_3 : memref<288xi32, #tpu.memory_space<hbm>>) target(%arg8 : memref<288xi32, #tpu.memory_space<vmem>>) target_semaphore(%arg15 : memref<!tpu.dma_semaphore, #tpu.memory_space<semaphore_mem>>)
    tpu.enqueue_dma source(%arg3 : memref<36864xi32, #tpu.memory_space<hbm>>) target(%arg6 : memref<36864xi32, #tpu.memory_space<vmem>>) target_semaphore(%arg14 : memref<!tpu.dma_semaphore, #tpu.memory_space<semaphore_mem>>)
    %dma_wait3A = tpu.memref_slice %arg3[%mul3A_2] : memref<36864xi32, #tpu.memory_space<hbm>> -> memref<288xi32, #tpu.memory_space<hbm>>
    %dma_wait3A_4 = tpu.memref_slice %arg3[%mul3A_2] : memref<36864xi32, #tpu.memory_space<hbm>> -> memref<288xi32, #tpu.memory_space<hbm>>
    tpu.wait_dma2 semaphore(%arg15 : memref<!tpu.dma_semaphore, #tpu.memory_space<semaphore_mem>>) src(%dma_wait3A_4 : memref<288xi32, #tpu.memory_space<hbm>>) dst(%arg8 : memref<288xi32, #tpu.memory_space<vmem>>)
    %scan3A = arith.constant 0 : i32
    %scan3A_5 = arith.constant 0 : i32
    %scan3A_6 = arith.constant 18 : i32
    %scan3A_7 = arith.addi %scan3A_5, %scan3A_6 : i32
    %scan3A_8 = arith.constant 1 : i32
    scf.for %scan3A_54 = %scan3A_5 to %scan3A_7 step %scan3A_8  : i32 {
      %mul3A_55 = arith.constant 288 : i32
      %mul3A_56 = arith.muli %add3A, %mul3A_55 : i32
      %mul3A_57 = arith.constant 16 : i32
      %mul3A_58 = arith.muli %scan3A_54, %mul3A_57 : i32
      %add3A_59 = arith.addi %mul3A_56, %mul3A_58 : i32
      %add3A_60 = vector.broadcast %add3A_59 : i32 to vector<16xi32>
      %add3A_61 = arith.addi %add3A_60, %iota3A : vector<16xi32>
      %mul3A_62 = arith.constant 16 : i32
      %mul3A_63 = arith.muli %scan3A_54, %mul3A_62 : i32
      %get3A = arith.index_cast %mul3A_63 : i32 to index
      %get3A_64 = tpu.vector_load %arg8[%get3A] {strides = array<i32>} : memref<288xi32, #tpu.memory_space<vmem>>, vector<16xi32>,
      %mul3A_65 = arith.constant 64 : i32
      %mul3A_66 = vector.broadcast %mul3A_65 : i32 to vector<16xi32>
      %mul3A_67 = arith.muli %get3A_64, %mul3A_66 : vector<16xi32>
      %jit3A = arith.constant 64 : i32
      %eq3A = arith.constant 0 : i32
      %eq3A_68 = arith.cmpi eq, %jit3A, %eq3A : i32
      %jit3A_69 = arith.constant 1 : i32
      %select_n3A = arith.select %eq3A_68, %jit3A_69, %jit3A : i32
      %rem3A = vector.broadcast %select_n3A : i32 to vector<16xi32>
      %rem3A_70 = arith.remsi %add3A_61, %rem3A : vector<16xi32>
      %ne3A = arith.constant 0 : i32
      %ne3A_71 = vector.broadcast %ne3A : i32 to vector<16xi32>
      %ne3A_72 = arith.cmpi ne, %rem3A_70, %ne3A_71 : vector<16xi32>
      %lt3A = arith.constant 0 : i32
      %lt3A_73 = vector.broadcast %lt3A : i32 to vector<16xi32>
      %lt3A_74 = arith.cmpi slt, %rem3A_70, %lt3A_73 : vector<16xi32>
      %lt3A_75 = arith.constant 0 : i32
      %lt3A_76 = arith.cmpi slt, %select_n3A, %lt3A_75 : i32
      %ne3A_77 = vector.broadcast %lt3A_76 : i1 to vector<16xi1>
      %ne3A_78 = vector.broadcast %ne3A_77 : vector<16xi1> to vector<16xi1>
      %ne3A_79 = arith.xori %lt3A_74, %ne3A_78 : vector<16xi1>
      %and3A = arith.andi %ne3A_79, %ne3A_72 : vector<16xi1>
      %add3A_80 = vector.broadcast %select_n3A : i32 to vector<16xi32>
      %add3A_81 = arith.addi %rem3A_70, %add3A_80 : vector<16xi32>
      %select_n3A_82 = arith.select %and3A, %add3A_81, %rem3A_70 : vector<16xi1>, vector<16xi32>
      %add3A_83 = arith.addi %mul3A_67, %select_n3A_82 : vector<16xi32>
      %mul3A_84 = arith.constant 16 : i32
      %mul3A_85 = arith.muli %scan3A_54, %mul3A_84 : i32
      %swap3A = arith.index_cast %mul3A_85 : i32 to index
      %swap3A_86 = tpu.vector_load %arg9[%swap3A] {strides = array<i32>} : memref<288xi32, #tpu.memory_space<vmem>>, vector<16xi32>,
      tpu.vector_store %arg9[%swap3A], %add3A_83 {strides = array<i32>} : memref<288xi32, #tpu.memory_space<vmem>>, vector<16xi32>,
    }
    %scan3A_9 = arith.constant 18 : i32
    %dma_start3A_10 = arith.constant 0 : i32
    %dma_start3A_11 = tpu.memref_slice %arg9[%dma_start3A_10] : memref<288xi32, #tpu.memory_space<vmem>> -> memref<24xi32, #tpu.memory_space<vmem>>
    %dma_start3A_12 = arith.constant 0 : i32
    %dma_start3A_13 = arith.constant 0 : i32
    %dma_start3A_14 = tpu.memref_slice %arg2[%dma_start3A_12, %dma_start3A_13] : memref<36864x768xf32, #tpu.memory_space<hbm>> -> memref<36864x768xf32, #tpu.memory_space<hbm>>
    tpu.enqueue_indirect_dma source(%dma_start3A_14 : memref<36864x768xf32, #tpu.memory_space<hbm>>) target(%arg10 : memref<24x768xf32, #tpu.memory_space<vmem>>) offsets(%dma_start3A_11 : memref<24xi32, #tpu.memory_space<vmem>>) semaphore(%arg17 : memref<!tpu.dma_semaphore, #tpu.memory_space<semaphore_mem>>)
    %dma_start3A_15 = arith.constant 24 : i32
    %dma_start3A_16 = tpu.memref_slice %arg9[%dma_start3A_15] : memref<288xi32, #tpu.memory_space<vmem>> -> memref<24xi32, #tpu.memory_space<vmem>>
    %dma_start3A_17 = arith.constant 0 : i32
    %dma_start3A_18 = arith.constant 0 : i32
    %dma_start3A_19 = tpu.memref_slice %arg2[%dma_start3A_17, %dma_start3A_18] : memref<36864x768xf32, #tpu.memory_space<hbm>> -> memref<36864x768xf32, #tpu.memory_space<hbm>>
    tpu.enqueue_indirect_dma source(%dma_start3A_19 : memref<36864x768xf32, #tpu.memory_space<hbm>>) target(%arg11 : memref<24x768xf32, #tpu.memory_space<vmem>>) offsets(%dma_start3A_16 : memref<24xi32, #tpu.memory_space<vmem>>) semaphore(%arg17 : memref<!tpu.dma_semaphore, #tpu.memory_space<semaphore_mem>>)
    %dma_start3A_20 = arith.constant 48 : i32
    %dma_start3A_21 = tpu.memref_slice %arg9[%dma_start3A_20] : memref<288xi32, #tpu.memory_space<vmem>> -> memref<24xi32, #tpu.memory_space<vmem>>
    %dma_start3A_22 = arith.constant 0 : i32
    %dma_start3A_23 = arith.constant 0 : i32
    %dma_start3A_24 = tpu.memref_slice %arg2[%dma_start3A_22, %dma_start3A_23] : memref<36864x768xf32, #tpu.memory_space<hbm>> -> memref<36864x768xf32, #tpu.memory_space<hbm>>
    tpu.enqueue_indirect_dma source(%dma_start3A_24 : memref<36864x768xf32, #tpu.memory_space<hbm>>) target(%arg12 : memref<24x768xf32, #tpu.memory_space<vmem>>) offsets(%dma_start3A_21 : memref<24xi32, #tpu.memory_space<vmem>>) semaphore(%arg17 : memref<!tpu.dma_semaphore, #tpu.memory_space<semaphore_mem>>)
    %dma_start3A_25 = arith.constant 72 : i32
    %dma_start3A_26 = tpu.memref_slice %arg9[%dma_start3A_25] : memref<288xi32, #tpu.memory_space<vmem>> -> memref<24xi32, #tpu.memory_space<vmem>>
    %dma_start3A_27 = arith.constant 0 : i32
    %dma_start3A_28 = arith.constant 0 : i32
    %dma_start3A_29 = tpu.memref_slice %arg2[%dma_start3A_27, %dma_start3A_28] : memref<36864x768xf32, #tpu.memory_space<hbm>> -> memref<36864x768xf32, #tpu.memory_space<hbm>>
    tpu.enqueue_indirect_dma source(%dma_start3A_29 : memref<36864x768xf32, #tpu.memory_space<hbm>>) target(%arg13 : memref<24x768xf32, #tpu.memory_space<vmem>>) offsets(%dma_start3A_26 : memref<24xi32, #tpu.memory_space<vmem>>) semaphore(%arg17 : memref<!tpu.dma_semaphore, #tpu.memory_space<semaphore_mem>>)
    tpu.wait_dma2 semaphore(%arg14 : memref<!tpu.dma_semaphore, #tpu.memory_space<semaphore_mem>>) src(%arg3 : memref<36864xi32, #tpu.memory_space<hbm>>) dst(%arg6 : memref<36864xi32, #tpu.memory_space<vmem>>)
    %scan3A_30 = arith.constant 0 : i32
    %scan3A_31 = arith.constant 0 : i32
    %scan3A_32 = arith.constant 72 : i32
    %scan3A_33 = arith.addi %scan3A_31, %scan3A_32 : i32
    %scan3A_34 = arith.constant 1 : i32
    scf.for %scan3A_54 = %scan3A_31 to %scan3A_33 step %scan3A_34  : i32 {
      %mul3A_55 = arith.constant 16 : i32
      %mul3A_56 = arith.muli %scan3A_54, %mul3A_55 : i32
      %add3A_57 = vector.broadcast %mul3A_56 : i32 to vector<16xi32>
      %add3A_58 = arith.addi %add3A_57, %iota3A : vector<16xi32>
      %jit3A = arith.constant 576 : i32
      %eq3A = arith.constant 0 : i32
      %eq3A_59 = arith.cmpi eq, %jit3A, %eq3A : i32
      %jit3A_60 = arith.constant 1 : i32
      %select_n3A = arith.select %eq3A_59, %jit3A_60, %jit3A : i32
      %rem3A = vector.broadcast %select_n3A : i32 to vector<16xi32>
      %rem3A_61 = arith.remsi %add3A_58, %rem3A : vector<16xi32>
      %ne3A = arith.constant 0 : i32
      %ne3A_62 = vector.broadcast %ne3A : i32 to vector<16xi32>
      %ne3A_63 = arith.cmpi ne, %rem3A_61, %ne3A_62 : vector<16xi32>
      %lt3A = arith.constant 0 : i32
      %lt3A_64 = vector.broadcast %lt3A : i32 to vector<16xi32>
      %lt3A_65 = arith.cmpi slt, %rem3A_61, %lt3A_64 : vector<16xi32>
      %lt3A_66 = arith.constant 0 : i32
      %lt3A_67 = arith.cmpi slt, %select_n3A, %lt3A_66 : i32
      %ne3A_68 = vector.broadcast %lt3A_67 : i1 to vector<16xi1>
      %ne3A_69 = vector.broadcast %ne3A_68 : vector<16xi1> to vector<16xi1>
      %ne3A_70 = arith.xori %lt3A_65, %ne3A_69 : vector<16xi1>
      %and3A = arith.andi %ne3A_70, %ne3A_63 : vector<16xi1>
      %add3A_71 = vector.broadcast %select_n3A : i32 to vector<16xi32>
      %add3A_72 = arith.addi %rem3A_61, %add3A_71 : vector<16xi32>
      %select_n3A_73 = arith.select %and3A, %add3A_72, %rem3A_61 : vector<16xi1>, vector<16xi32>
      %jit3A_74 = arith.constant 576 : i32
      %div3A = vector.broadcast %jit3A_74 : i32 to vector<16xi32>
      %div3A_75 = arith.divsi %add3A_58, %div3A : vector<16xi32>
      %sign3A = arith.constant 0 : i32
      %sign3A_76 = vector.broadcast %sign3A : i32 to vector<16xi32>
      %sign3A_77 = arith.cmpi sgt, %add3A_58, %sign3A_76 : vector<16xi32>
      %sign3A_78 = arith.extui %sign3A_77 : vector<16xi1> to vector<16xi32>
      %sign3A_79 = arith.constant 0 : i32
      %sign3A_80 = vector.broadcast %sign3A_79 : i32 to vector<16xi32>
      %sign3A_81 = arith.cmpi slt, %add3A_58, %sign3A_80 : vector<16xi32>
      %sign3A_82 = arith.extui %sign3A_81 : vector<16xi1> to vector<16xi32>
      %sign3A_83 = arith.subi %sign3A_78, %sign3A_82 : vector<16xi32>
      %sign3A_84 = arith.constant 0 : i32
      %sign3A_85 = arith.cmpi sgt, %jit3A_74, %sign3A_84 : i32
      %sign3A_86 = arith.extui %sign3A_85 : i1 to i32
      %sign3A_87 = arith.constant 0 : i32
      %sign3A_88 = arith.cmpi slt, %jit3A_74, %sign3A_87 : i32
      %sign3A_89 = arith.extui %sign3A_88 : i1 to i32
      %sign3A_90 = arith.subi %sign3A_86, %sign3A_89 : i32
      %ne3A_91 = vector.broadcast %sign3A_90 : i32 to vector<16xi32>
      %ne3A_92 = arith.cmpi ne, %sign3A_83, %ne3A_91 : vector<16xi32>
      %rem3A_93 = vector.broadcast %jit3A_74 : i32 to vector<16xi32>
      %rem3A_94 = arith.remsi %add3A_58, %rem3A_93 : vector<16xi32>
      %ne3A_95 = arith.constant 0 : i32
      %ne3A_96 = vector.broadcast %ne3A_95 : i32 to vector<16xi32>
      %ne3A_97 = arith.cmpi ne, %rem3A_94, %ne3A_96 : vector<16xi32>
      %and3A_98 = arith.andi %ne3A_92, %ne3A_97 : vector<16xi1>
      %sub3A = arith.constant 1 : i32
      %sub3A_99 = vector.broadcast %sub3A : i32 to vector<16xi32>
      %sub3A_100 = arith.subi %div3A_75, %sub3A_99 : vector<16xi32>
      %select_n3A_101 = arith.select %and3A_98, %sub3A_100, %div3A_75 : vector<16xi1>, vector<16xi32>
      %mul3A_102 = arith.constant 2 : i32
      %mul3A_103 = arith.muli %add3A, %mul3A_102 : i32
      %add3A_104 = vector.broadcast %mul3A_103 : i32 to vector<16xi32>
      %add3A_105 = arith.addi %add3A_104, %select_n3A_101 : vector<16xi32>
      %mul3A_106 = arith.constant 64 : i32
      %mul3A_107 = vector.broadcast %mul3A_106 : i32 to vector<16xi32>
      %mul3A_108 = arith.muli %select_n3A_73, %mul3A_107 : vector<16xi32>
      %add3A_109 = arith.addi %mul3A_108, %add3A_105 : vector<16xi32>
      %gather3A = tpu.vector_load_idx %arg6[%add3A_109] : memref<36864xi32, #tpu.memory_space<vmem>>[vector<16xi32>], vector<16xi32>,
      %mul3A_110 = arith.constant 576 : i32
      %mul3A_111 = vector.broadcast %mul3A_110 : i32 to vector<16xi32>
      %mul3A_112 = arith.muli %select_n3A_101, %mul3A_111 : vector<16xi32>
      %add3A_113 = arith.addi %mul3A_112, %gather3A : vector<16xi32>
      tpu.vector_store_idx %arg7[%add3A_113], %select_n3A_73 : memref<1152xi32, #tpu.memory_space<vmem>>[vector<16xi32>], vector<16xi32>,
    }
    %scan3A_35 = arith.constant 72 : i32
    %mul3A_36 = arith.constant 1152 : i32
    %mul3A_37 = arith.muli %add3A, %mul3A_36 : i32
    %dma_start3A_38 = tpu.memref_slice %arg5[%mul3A_37] : memref<36864xi32, #tpu.memory_space<hbm>> -> memref<1152xi32, #tpu.memory_space<hbm>>
    %dma_start3A_39 = tpu.memref_slice %arg5[%mul3A_37] : memref<36864xi32, #tpu.memory_space<hbm>> -> memref<1152xi32, #tpu.memory_space<hbm>>
    tpu.enqueue_dma source(%arg7 : memref<1152xi32, #tpu.memory_space<vmem>>) target(%dma_start3A_39 : memref<1152xi32, #tpu.memory_space<hbm>>) target_semaphore(%arg16 : memref<!tpu.dma_semaphore, #tpu.memory_space<semaphore_mem>>)
    %scan3A_40 = arith.constant 0 : i32
    %scan3A_41 = arith.constant 0 : i32
    %scan3A_42 = arith.constant 3 : i32
    %scan3A_43 = arith.addi %scan3A_41, %scan3A_42 : i32
    %scan3A_44 = arith.constant 1 : i32
    scf.for %scan3A_54 = %scan3A_41 to %scan3A_43 step %scan3A_44  : i32 {
      %mul3A_55 = arith.constant 4 : i32
      %mul3A_56 = arith.muli %scan3A_54, %mul3A_55 : i32
      %add3A_57 = arith.constant 0 : i32
      %add3A_58 = arith.addi %mul3A_56, %add3A_57 : i32
      %dma_wait3A_59 = arith.constant 0 : i32
      %dma_wait3A_60 = arith.constant 0 : i32
      %dma_wait3A_61 = tpu.memref_slice %arg2[%dma_wait3A_59, %dma_wait3A_60] : memref<36864x768xf32, #tpu.memory_space<hbm>> -> memref<24x768xf32, #tpu.memory_space<hbm>>
      %dma_wait3A_62 = arith.constant 0 : i32
      %dma_wait3A_63 = arith.constant 0 : i32
      %dma_wait3A_64 = tpu.memref_slice %arg2[%dma_wait3A_62, %dma_wait3A_63] : memref<36864x768xf32, #tpu.memory_space<hbm>> -> memref<24x768xf32, #tpu.memory_space<hbm>>
      tpu.wait_dma2 semaphore(%arg17 : memref<!tpu.dma_semaphore, #tpu.memory_space<semaphore_mem>>) src(%dma_wait3A_64 : memref<24x768xf32, #tpu.memory_space<hbm>>) dst(%arg10 : memref<24x768xf32, #tpu.memory_space<vmem>>)
      %ge3A = arith.constant 1 : i32
      %ge3A_65 = arith.cmpi sge, %add3A_58, %ge3A : i32
      %convert_element_type3A = arith.extui %ge3A_65 : i1 to i32
      %cond3A = arith.constant 0 : i32
      %cond3A_66 = arith.cmpi ne, %convert_element_type3A, %cond3A : i32
      scf.if %cond3A_66 {
        %dma_wait3A_193 = arith.constant 0 : i32
        %dma_wait3A_194 = arith.constant 0 : i32
        %dma_wait3A_195 = tpu.memref_slice %arg4[%dma_wait3A_193, %dma_wait3A_194] : memref<9216x768xf32, #tpu.memory_space<hbm>> -> memref<24x768xf32, #tpu.memory_space<hbm>>
        %dma_wait3A_196 = arith.constant 0 : i32
        %dma_wait3A_197 = arith.constant 0 : i32
        %dma_wait3A_198 = tpu.memref_slice %arg4[%dma_wait3A_196, %dma_wait3A_197] : memref<9216x768xf32, #tpu.memory_space<hbm>> -> memref<24x768xf32, #tpu.memory_space<hbm>>
        tpu.wait_dma2 semaphore(%arg21 : memref<!tpu.dma_semaphore, #tpu.memory_space<semaphore_mem>>) src(%arg13 : memref<24x768xf32, #tpu.memory_space<vmem>>) dst(%dma_wait3A_198 : memref<24x768xf32, #tpu.memory_space<hbm>>)
      } else {
      }
      %ge3A_67 = arith.constant 1 : i32
      %ge3A_68 = arith.cmpi sge, %add3A_58, %ge3A_67 : i32
      %sub3A = arith.constant 1 : i32
      %sub3A_69 = arith.subi %add3A_58, %sub3A : i32
      %add3A_70 = arith.constant 4 : i32
      %add3A_71 = arith.addi %sub3A_69, %add3A_70 : i32
      %lt3A = arith.constant 12 : i32
      %lt3A_72 = arith.cmpi slt, %add3A_71, %lt3A : i32
      %and3A = arith.andi %ge3A_68, %lt3A_72 : i1
      %convert_element_type3A_73 = arith.extui %and3A : i1 to i32
      %cond3A_74 = arith.constant 0 : i32
      %cond3A_75 = arith.cmpi ne, %convert_element_type3A_73, %cond3A_74 : i32
      scf.if %cond3A_75 {
        %sub3A_193 = arith.constant 1 : i32
        %sub3A_194 = arith.subi %add3A_58, %sub3A_193 : i32
        %add3A_195 = arith.constant 4 : i32
        %add3A_196 = arith.addi %sub3A_194, %add3A_195 : i32
        %mul3A_197 = arith.constant 24 : i32
        %mul3A_198 = arith.muli %add3A_196, %mul3A_197 : i32
        %dma_start3A_199 = tpu.memref_slice %arg9[%mul3A_198] : memref<288xi32, #tpu.memory_space<vmem>> -> memref<24xi32, #tpu.memory_space<vmem>>
        %dma_start3A_200 = arith.constant 0 : i32
        %dma_start3A_201 = arith.constant 0 : i32
        %dma_start3A_202 = tpu.memref_slice %arg2[%dma_start3A_200, %dma_start3A_201] : memref<36864x768xf32, #tpu.memory_space<hbm>> -> memref<36864x768xf32, #tpu.memory_space<hbm>>
        tpu.enqueue_indirect_dma source(%dma_start3A_202 : memref<36864x768xf32, #tpu.memory_space<hbm>>) target(%arg13 : memref<24x768xf32, #tpu.memory_space<vmem>>) offsets(%dma_start3A_199 : memref<24xi32, #tpu.memory_space<vmem>>) semaphore(%arg17 : memref<!tpu.dma_semaphore, #tpu.memory_space<semaphore_mem>>)
      } else {
      }
      %mul3A_76 = arith.constant 288 : i32
      %mul3A_77 = arith.muli %add3A, %mul3A_76 : i32
      %mul3A_78 = arith.constant 24 : i32
      %mul3A_79 = arith.muli %add3A_58, %mul3A_78 : i32
      %add3A_80 = arith.addi %mul3A_77, %mul3A_79 : i32
      %dma_start3A_81 = arith.constant 0 : i32
      %dma_start3A_82 = tpu.memref_slice %arg4[%add3A_80, %dma_start3A_81] : memref<9216x768xf32, #tpu.memory_space<hbm>> -> memref<24x768xf32, #tpu.memory_space<hbm>>
      %dma_start3A_83 = arith.constant 0 : i32
      %dma_start3A_84 = tpu.memref_slice %arg4[%add3A_80, %dma_start3A_83] : memref<9216x768xf32, #tpu.memory_space<hbm>> -> memref<24x768xf32, #tpu.memory_space<hbm>>
      tpu.enqueue_dma source(%arg10 : memref<24x768xf32, #tpu.memory_space<vmem>>) target(%dma_start3A_84 : memref<24x768xf32, #tpu.memory_space<hbm>>) target_semaphore(%arg18 : memref<!tpu.dma_semaphore, #tpu.memory_space<semaphore_mem>>)
      %mul3A_85 = arith.constant 4 : i32
      %mul3A_86 = arith.muli %scan3A_54, %mul3A_85 : i32
      %add3A_87 = arith.constant 1 : i32
      %add3A_88 = arith.addi %mul3A_86, %add3A_87 : i32
      %dma_wait3A_89 = arith.constant 0 : i32
      %dma_wait3A_90 = arith.constant 0 : i32
      %dma_wait3A_91 = tpu.memref_slice %arg2[%dma_wait3A_89, %dma_wait3A_90] : memref<36864x768xf32, #tpu.memory_space<hbm>> -> memref<24x768xf32, #tpu.memory_space<hbm>>
      %dma_wait3A_92 = arith.constant 0 : i32
      %dma_wait3A_93 = arith.constant 0 : i32
      %dma_wait3A_94 = tpu.memref_slice %arg2[%dma_wait3A_92, %dma_wait3A_93] : memref<36864x768xf32, #tpu.memory_space<hbm>> -> memref<24x768xf32, #tpu.memory_space<hbm>>
      tpu.wait_dma2 semaphore(%arg17 : memref<!tpu.dma_semaphore, #tpu.memory_space<semaphore_mem>>) src(%dma_wait3A_94 : memref<24x768xf32, #tpu.memory_space<hbm>>) dst(%arg11 : memref<24x768xf32, #tpu.memory_space<vmem>>)
      %ge3A_95 = arith.constant 1 : i32
      %ge3A_96 = arith.cmpi sge, %add3A_88, %ge3A_95 : i32
      %convert_element_type3A_97 = arith.extui %ge3A_96 : i1 to i32
      %cond3A_98 = arith.constant 0 : i32
      %cond3A_99 = arith.cmpi ne, %convert_element_type3A_97, %cond3A_98 : i32
      scf.if %cond3A_99 {
        %dma_wait3A_193 = arith.constant 0 : i32
        %dma_wait3A_194 = arith.constant 0 : i32
        %dma_wait3A_195 = tpu.memref_slice %arg4[%dma_wait3A_193, %dma_wait3A_194] : memref<9216x768xf32, #tpu.memory_space<hbm>> -> memref<24x768xf32, #tpu.memory_space<hbm>>
        %dma_wait3A_196 = arith.constant 0 : i32
        %dma_wait3A_197 = arith.constant 0 : i32
        %dma_wait3A_198 = tpu.memref_slice %arg4[%dma_wait3A_196, %dma_wait3A_197] : memref<9216x768xf32, #tpu.memory_space<hbm>> -> memref<24x768xf32, #tpu.memory_space<hbm>>
        tpu.wait_dma2 semaphore(%arg18 : memref<!tpu.dma_semaphore, #tpu.memory_space<semaphore_mem>>) src(%arg10 : memref<24x768xf32, #tpu.memory_space<vmem>>) dst(%dma_wait3A_198 : memref<24x768xf32, #tpu.memory_space<hbm>>)
      } else {
      }
      %ge3A_100 = arith.constant 1 : i32
      %ge3A_101 = arith.cmpi sge, %add3A_88, %ge3A_100 : i32
      %sub3A_102 = arith.constant 1 : i32
      %sub3A_103 = arith.subi %add3A_88, %sub3A_102 : i32
      %add3A_104 = arith.constant 4 : i32
      %add3A_105 = arith.addi %sub3A_103, %add3A_104 : i32
      %lt3A_106 = arith.constant 12 : i32
      %lt3A_107 = arith.cmpi slt, %add3A_105, %lt3A_106 : i32
      %and3A_108 = arith.andi %ge3A_101, %lt3A_107 : i1
      %convert_element_type3A_109 = arith.extui %and3A_108 : i1 to i32
      %cond3A_110 = arith.constant 0 : i32
      %cond3A_111 = arith.cmpi ne, %convert_element_type3A_109, %cond3A_110 : i32
      scf.if %cond3A_111 {
        %sub3A_193 = arith.constant 1 : i32
        %sub3A_194 = arith.subi %add3A_88, %sub3A_193 : i32
        %add3A_195 = arith.constant 4 : i32
        %add3A_196 = arith.addi %sub3A_194, %add3A_195 : i32
        %mul3A_197 = arith.constant 24 : i32
        %mul3A_198 = arith.muli %add3A_196, %mul3A_197 : i32
        %dma_start3A_199 = tpu.memref_slice %arg9[%mul3A_198] : memref<288xi32, #tpu.memory_space<vmem>> -> memref<24xi32, #tpu.memory_space<vmem>>
        %dma_start3A_200 = arith.constant 0 : i32
        %dma_start3A_201 = arith.constant 0 : i32
        %dma_start3A_202 = tpu.memref_slice %arg2[%dma_start3A_200, %dma_start3A_201] : memref<36864x768xf32, #tpu.memory_space<hbm>> -> memref<36864x768xf32, #tpu.memory_space<hbm>>
        tpu.enqueue_indirect_dma source(%dma_start3A_202 : memref<36864x768xf32, #tpu.memory_space<hbm>>) target(%arg10 : memref<24x768xf32, #tpu.memory_space<vmem>>) offsets(%dma_start3A_199 : memref<24xi32, #tpu.memory_space<vmem>>) semaphore(%arg17 : memref<!tpu.dma_semaphore, #tpu.memory_space<semaphore_mem>>)
      } else {
      }
      %mul3A_112 = arith.constant 288 : i32
      %mul3A_113 = arith.muli %add3A, %mul3A_112 : i32
      %mul3A_114 = arith.constant 24 : i32
      %mul3A_115 = arith.muli %add3A_88, %mul3A_114 : i32
      %add3A_116 = arith.addi %mul3A_113, %mul3A_115 : i32
      %dma_start3A_117 = arith.constant 0 : i32
      %dma_start3A_118 = tpu.memref_slice %arg4[%add3A_116, %dma_start3A_117] : memref<9216x768xf32, #tpu.memory_space<hbm>> -> memref<24x768xf32, #tpu.memory_space<hbm>>
      %dma_start3A_119 = arith.constant 0 : i32
      %dma_start3A_120 = tpu.memref_slice %arg4[%add3A_116, %dma_start3A_119] : memref<9216x768xf32, #tpu.memory_space<hbm>> -> memref<24x768xf32, #tpu.memory_space<hbm>>
      tpu.enqueue_dma source(%arg11 : memref<24x768xf32, #tpu.memory_space<vmem>>) target(%dma_start3A_120 : memref<24x768xf32, #tpu.memory_space<hbm>>) target_semaphore(%arg19 : memref<!tpu.dma_semaphore, #tpu.memory_space<semaphore_mem>>)
      %mul3A_121 = arith.constant 4 : i32
      %mul3A_122 = arith.muli %scan3A_54, %mul3A_121 : i32
      %add3A_123 = arith.constant 2 : i32
      %add3A_124 = arith.addi %mul3A_122, %add3A_123 : i32
      %dma_wait3A_125 = arith.constant 0 : i32
      %dma_wait3A_126 = arith.constant 0 : i32
      %dma_wait3A_127 = tpu.memref_slice %arg2[%dma_wait3A_125, %dma_wait3A_126] : memref<36864x768xf32, #tpu.memory_space<hbm>> -> memref<24x768xf32, #tpu.memory_space<hbm>>
      %dma_wait3A_128 = arith.constant 0 : i32
      %dma_wait3A_129 = arith.constant 0 : i32
      %dma_wait3A_130 = tpu.memref_slice %arg2[%dma_wait3A_128, %dma_wait3A_129] : memref<36864x768xf32, #tpu.memory_space<hbm>> -> memref<24x768xf32, #tpu.memory_space<hbm>>
      tpu.wait_dma2 semaphore(%arg17 : memref<!tpu.dma_semaphore, #tpu.memory_space<semaphore_mem>>) src(%dma_wait3A_130 : memref<24x768xf32, #tpu.memory_space<hbm>>) dst(%arg12 : memref<24x768xf32, #tpu.memory_space<vmem>>)
      %ge3A_131 = arith.constant 1 : i32
      %ge3A_132 = arith.cmpi sge, %add3A_124, %ge3A_131 : i32
      %convert_element_type3A_133 = arith.extui %ge3A_132 : i1 to i32
      %cond3A_134 = arith.constant 0 : i32
      %cond3A_135 = arith.cmpi ne, %convert_element_type3A_133, %cond3A_134 : i32
      scf.if %cond3A_135 {
        %dma_wait3A_193 = arith.constant 0 : i32
        %dma_wait3A_194 = arith.constant 0 : i32
        %dma_wait3A_195 = tpu.memref_slice %arg4[%dma_wait3A_193, %dma_wait3A_194] : memref<9216x768xf32, #tpu.memory_space<hbm>> -> memref<24x768xf32, #tpu.memory_space<hbm>>
        %dma_wait3A_196 = arith.constant 0 : i32
        %dma_wait3A_197 = arith.constant 0 : i32
        %dma_wait3A_198 = tpu.memref_slice %arg4[%dma_wait3A_196, %dma_wait3A_197] : memref<9216x768xf32, #tpu.memory_space<hbm>> -> memref<24x768xf32, #tpu.memory_space<hbm>>
        tpu.wait_dma2 semaphore(%arg19 : memref<!tpu.dma_semaphore, #tpu.memory_space<semaphore_mem>>) src(%arg11 : memref<24x768xf32, #tpu.memory_space<vmem>>) dst(%dma_wait3A_198 : memref<24x768xf32, #tpu.memory_space<hbm>>)
      } else {
      }
      %ge3A_136 = arith.constant 1 : i32
      %ge3A_137 = arith.cmpi sge, %add3A_124, %ge3A_136 : i32
      %sub3A_138 = arith.constant 1 : i32
      %sub3A_139 = arith.subi %add3A_124, %sub3A_138 : i32
      %add3A_140 = arith.constant 4 : i32
      %add3A_141 = arith.addi %sub3A_139, %add3A_140 : i32
      %lt3A_142 = arith.constant 12 : i32
      %lt3A_143 = arith.cmpi slt, %add3A_141, %lt3A_142 : i32
      %and3A_144 = arith.andi %ge3A_137, %lt3A_143 : i1
      %convert_element_type3A_145 = arith.extui %and3A_144 : i1 to i32
      %cond3A_146 = arith.constant 0 : i32
      %cond3A_147 = arith.cmpi ne, %convert_element_type3A_145, %cond3A_146 : i32
      scf.if %cond3A_147 {
        %sub3A_193 = arith.constant 1 : i32
        %sub3A_194 = arith.subi %add3A_124, %sub3A_193 : i32
        %add3A_195 = arith.constant 4 : i32
        %add3A_196 = arith.addi %sub3A_194, %add3A_195 : i32
        %mul3A_197 = arith.constant 24 : i32
        %mul3A_198 = arith.muli %add3A_196, %mul3A_197 : i32
        %dma_start3A_199 = tpu.memref_slice %arg9[%mul3A_198] : memref<288xi32, #tpu.memory_space<vmem>> -> memref<24xi32, #tpu.memory_space<vmem>>
        %dma_start3A_200 = arith.constant 0 : i32
        %dma_start3A_201 = arith.constant 0 : i32
        %dma_start3A_202 = tpu.memref_slice %arg2[%dma_start3A_200, %dma_start3A_201] : memref<36864x768xf32, #tpu.memory_space<hbm>> -> memref<36864x768xf32, #tpu.memory_space<hbm>>
        tpu.enqueue_indirect_dma source(%dma_start3A_202 : memref<36864x768xf32, #tpu.memory_space<hbm>>) target(%arg11 : memref<24x768xf32, #tpu.memory_space<vmem>>) offsets(%dma_start3A_199 : memref<24xi32, #tpu.memory_space<vmem>>) semaphore(%arg17 : memref<!tpu.dma_semaphore, #tpu.memory_space<semaphore_mem>>)
      } else {
      }
      %mul3A_148 = arith.constant 288 : i32
      %mul3A_149 = arith.muli %add3A, %mul3A_148 : i32
      %mul3A_150 = arith.constant 24 : i32
      %mul3A_151 = arith.muli %add3A_124, %mul3A_150 : i32
      %add3A_152 = arith.addi %mul3A_149, %mul3A_151 : i32
      %dma_start3A_153 = arith.constant 0 : i32
      %dma_start3A_154 = tpu.memref_slice %arg4[%add3A_152, %dma_start3A_153] : memref<9216x768xf32, #tpu.memory_space<hbm>> -> memref<24x768xf32, #tpu.memory_space<hbm>>
      %dma_start3A_155 = arith.constant 0 : i32
      %dma_start3A_156 = tpu.memref_slice %arg4[%add3A_152, %dma_start3A_155] : memref<9216x768xf32, #tpu.memory_space<hbm>> -> memref<24x768xf32, #tpu.memory_space<hbm>>
      tpu.enqueue_dma source(%arg12 : memref<24x768xf32, #tpu.memory_space<vmem>>) target(%dma_start3A_156 : memref<24x768xf32, #tpu.memory_space<hbm>>) target_semaphore(%arg20 : memref<!tpu.dma_semaphore, #tpu.memory_space<semaphore_mem>>)
      %mul3A_157 = arith.constant 4 : i32
      %mul3A_158 = arith.muli %scan3A_54, %mul3A_157 : i32
      %add3A_159 = arith.constant 3 : i32
      %add3A_160 = arith.addi %mul3A_158, %add3A_159 : i32
      %dma_wait3A_161 = arith.constant 0 : i32
      %dma_wait3A_162 = arith.constant 0 : i32
      %dma_wait3A_163 = tpu.memref_slice %arg2[%dma_wait3A_161, %dma_wait3A_162] : memref<36864x768xf32, #tpu.memory_space<hbm>> -> memref<24x768xf32, #tpu.memory_space<hbm>>
      %dma_wait3A_164 = arith.constant 0 : i32
      %dma_wait3A_165 = arith.constant 0 : i32
      %dma_wait3A_166 = tpu.memref_slice %arg2[%dma_wait3A_164, %dma_wait3A_165] : memref<36864x768xf32, #tpu.memory_space<hbm>> -> memref<24x768xf32, #tpu.memory_space<hbm>>
      tpu.wait_dma2 semaphore(%arg17 : memref<!tpu.dma_semaphore, #tpu.memory_space<semaphore_mem>>) src(%dma_wait3A_166 : memref<24x768xf32, #tpu.memory_space<hbm>>) dst(%arg13 : memref<24x768xf32, #tpu.memory_space<vmem>>)
      %ge3A_167 = arith.constant 1 : i32
      %ge3A_168 = arith.cmpi sge, %add3A_160, %ge3A_167 : i32
      %convert_element_type3A_169 = arith.extui %ge3A_168 : i1 to i32
      %cond3A_170 = arith.constant 0 : i32
      %cond3A_171 = arith.cmpi ne, %convert_element_type3A_169, %cond3A_170 : i32
      scf.if %cond3A_171 {
        %dma_wait3A_193 = arith.constant 0 : i32
        %dma_wait3A_194 = arith.constant 0 : i32
        %dma_wait3A_195 = tpu.memref_slice %arg4[%dma_wait3A_193, %dma_wait3A_194] : memref<9216x768xf32, #tpu.memory_space<hbm>> -> memref<24x768xf32, #tpu.memory_space<hbm>>
        %dma_wait3A_196 = arith.constant 0 : i32
        %dma_wait3A_197 = arith.constant 0 : i32
        %dma_wait3A_198 = tpu.memref_slice %arg4[%dma_wait3A_196, %dma_wait3A_197] : memref<9216x768xf32, #tpu.memory_space<hbm>> -> memref<24x768xf32, #tpu.memory_space<hbm>>
        tpu.wait_dma2 semaphore(%arg20 : memref<!tpu.dma_semaphore, #tpu.memory_space<semaphore_mem>>) src(%arg12 : memref<24x768xf32, #tpu.memory_space<vmem>>) dst(%dma_wait3A_198 : memref<24x768xf32, #tpu.memory_space<hbm>>)
      } else {
      }
      %ge3A_172 = arith.constant 1 : i32
      %ge3A_173 = arith.cmpi sge, %add3A_160, %ge3A_172 : i32
      %sub3A_174 = arith.constant 1 : i32
      %sub3A_175 = arith.subi %add3A_160, %sub3A_174 : i32
      %add3A_176 = arith.constant 4 : i32
      %add3A_177 = arith.addi %sub3A_175, %add3A_176 : i32
      %lt3A_178 = arith.constant 12 : i32
      %lt3A_179 = arith.cmpi slt, %add3A_177, %lt3A_178 : i32
      %and3A_180 = arith.andi %ge3A_173, %lt3A_179 : i1
      %convert_element_type3A_181 = arith.extui %and3A_180 : i1 to i32
      %cond3A_182 = arith.constant 0 : i32
      %cond3A_183 = arith.cmpi ne, %convert_element_type3A_181, %cond3A_182 : i32
      scf.if %cond3A_183 {
        %sub3A_193 = arith.constant 1 : i32
        %sub3A_194 = arith.subi %add3A_160, %sub3A_193 : i32
        %add3A_195 = arith.constant 4 : i32
        %add3A_196 = arith.addi %sub3A_194, %add3A_195 : i32
        %mul3A_197 = arith.constant 24 : i32
        %mul3A_198 = arith.muli %add3A_196, %mul3A_197 : i32
        %dma_start3A_199 = tpu.memref_slice %arg9[%mul3A_198] : memref<288xi32, #tpu.memory_space<vmem>> -> memref<24xi32, #tpu.memory_space<vmem>>
        %dma_start3A_200 = arith.constant 0 : i32
        %dma_start3A_201 = arith.constant 0 : i32
        %dma_start3A_202 = tpu.memref_slice %arg2[%dma_start3A_200, %dma_start3A_201] : memref<36864x768xf32, #tpu.memory_space<hbm>> -> memref<36864x768xf32, #tpu.memory_space<hbm>>
        tpu.enqueue_indirect_dma source(%dma_start3A_202 : memref<36864x768xf32, #tpu.memory_space<hbm>>) target(%arg12 : memref<24x768xf32, #tpu.memory_space<vmem>>) offsets(%dma_start3A_199 : memref<24xi32, #tpu.memory_space<vmem>>) semaphore(%arg17 : memref<!tpu.dma_semaphore, #tpu.memory_space<semaphore_mem>>)
      } else {
      }
      %mul3A_184 = arith.constant 288 : i32
      %mul3A_185 = arith.muli %add3A, %mul3A_184 : i32
      %mul3A_186 = arith.constant 24 : i32
      %mul3A_187 = arith.muli %add3A_160, %mul3A_186 : i32
      %add3A_188 = arith.addi %mul3A_185, %mul3A_187 : i32
      %dma_start3A_189 = arith.constant 0 : i32
      %dma_start3A_190 = tpu.memref_slice %arg4[%add3A_188, %dma_start3A_189] : memref<9216x768xf32, #tpu.memory_space<hbm>> -> memref<24x768xf32, #tpu.memory_space<hbm>>
      %dma_start3A_191 = arith.constant 0 : i32
      %dma_start3A_192 = tpu.memref_slice %arg4[%add3A_188, %dma_start3A_191] : memref<9216x768xf32, #tpu.memory_space<hbm>> -> memref<24x768xf32, #tpu.memory_space<hbm>>
      tpu.enqueue_dma source(%arg13 : memref<24x768xf32, #tpu.memory_space<vmem>>) target(%dma_start3A_192 : memref<24x768xf32, #tpu.memory_space<hbm>>) target_semaphore(%arg21 : memref<!tpu.dma_semaphore, #tpu.memory_space<semaphore_mem>>)
    }
    %scan3A_45 = arith.constant 3 : i32
    %dma_wait3A_46 = arith.constant 0 : i32
    %dma_wait3A_47 = arith.constant 0 : i32
    %dma_wait3A_48 = tpu.memref_slice %arg4[%dma_wait3A_46, %dma_wait3A_47] : memref<9216x768xf32, #tpu.memory_space<hbm>> -> memref<24x768xf32, #tpu.memory_space<hbm>>
    %dma_wait3A_49 = arith.constant 0 : i32
    %dma_wait3A_50 = arith.constant 0 : i32
    %dma_wait3A_51 = tpu.memref_slice %arg4[%dma_wait3A_49, %dma_wait3A_50] : memref<9216x768xf32, #tpu.memory_space<hbm>> -> memref<24x768xf32, #tpu.memory_space<hbm>>
    tpu.wait_dma2 semaphore(%arg21 : memref<!tpu.dma_semaphore, #tpu.memory_space<semaphore_mem>>) src(%arg13 : memref<24x768xf32, #tpu.memory_space<vmem>>) dst(%dma_wait3A_51 : memref<24x768xf32, #tpu.memory_space<hbm>>)
    %dma_wait3A_52 = tpu.memref_slice %arg5[%mul3A_37] : memref<36864xi32, #tpu.memory_space<hbm>> -> memref<1152xi32, #tpu.memory_space<hbm>>
    %dma_wait3A_53 = tpu.memref_slice %arg5[%mul3A_37] : memref<36864xi32, #tpu.memory_space<hbm>> -> memref<1152xi32, #tpu.memory_space<hbm>>
    tpu.wait_dma2 semaphore(%arg16 : memref<!tpu.dma_semaphore, #tpu.memory_space<semaphore_mem>>) src(%arg7 : memref<1152xi32, #tpu.memory_space<vmem>>) dst(%dma_wait3A_53 : memref<1152xi32, #tpu.memory_space<hbm>>)
    return
  }
}

</mosaic_0001>

<sc_bundles>
// kernel: kernel.3.cloned.1.call-start
scs
__scs_entry_jumppad:
0x0: {  	(pc) =	sbr.rel $0x88, $3  }
0x1: {  	(tag) =	ssettag $0x0;
	lr =	simm.s32 $0x1  }
0x2: {  	[smem:$0x3F9F] =	sst lr;
	_ =	strace $0xD0000000  }
0x3: {  	_ = 	snop  }
0x4: {  	_ = 	snop  }
0x5: {  	_ = 	snop  }
0x6: {  	_ = 	snop  }
0x7: {  	_ = 	snop  }
__scs_overlays_trampoline_lowered:
0x8: {  	[smem:$0x3FAE] =	sst s0  }
0x9: {  	[smem:$0x3FAF] =	sst s1  }
0xa: {  	[smem:$0x3FB0] =	sst s2  }
0xb: {  	[smem:$0x3FB1] =	sst s3  }
0xc: {  	[smem:$0x3FB2] =	sst s4  }
0xd: {  	[smem:$0x3FB3] =	sst s5  }
0xe: {  	[smem:$0x3FB4] =	sst s6  }
0xf: {  	[smem:$0x3FB5] =	sst s7  }
0x10: {  	[smem:$0x3FB6] =	sst s8  }
0x11: {  	[smem:$0x3FB7] =	sst s9;
	s0 =	simm.s32 @!p0 $0x0  }
0x12: {  	s1 =	sld [smem:$0x3F9D];
	s0 =	simm.s32 @p0 $0x1  }
0x13: {  	[smem:$0x3FB8] =	sst s0;
	s0 =	simm.s32 @!p1 $0x0  }
0x14: {  	s2 =	sld [smem:$0x3F9C];
	s0 =	simm.s32 @p1 $0x1  }
0x15: {  	[smem:$0x3FB9] =	sst s0;
	s0 =	simm.s32 @!p2 $0x0  }
0x16: {  	s3 =	sld [smem:$0x3FDB];
	s0 =	simm.s32 @p2 $0x1  }
0x17: {  	s4 =	simm.s32 $0x1BF5;
	[smem:$0x3FBB] =	sst s0  }
0x18: {  	s0 =	sld [smem:$0x3F9E];
	_ =	swait.ge [sflag:s4], $0x0  }
0x19: {  	s7 =	sld [smem:$0x3F9F]  }
0x1a: {  	s8 =	sadd.s32 $0xFFFFE003, lr  }
0x1b: {  	s9 =	sadd.s32 $0xFFFFFEF7, lr;
	s5 =	simm.s32 $0xFFFFFFFF;
	p2 =	slt.u32 s8, $0xFFFFF086  }
0x1c: {  	p1 =	slt.u32 s9, $0xF7A;
	s5 =	simm.s32 @!p2 $0x0  }
0x1d: {  	s5 =	simm.s32 @p1 $0x1;
	p0 =	seq.s32 s7, s2  }
0x1e: {  	s7 =	smul.u32 @!p0 $0xF7A, s2;
	p2 =	seq.s32 @!p0 s5, $0x0  }
0x1f: {  	s9 =	smul.u32 $0xF7A, s1;
	s8 =	simm.s32 @!p0 $0x1BF5;
	p2 =	por !p2, p0  }
0x20: {  	[sflag:s8] =	ssyncset.s32 @!p0 $0xFFFFF086;
	s6 =	sadd.s32 @!p0 s3, s7;
	s7 =	simm.s32 @!p0 $0x108  }
0x21: {  	s3 =	sadd.s32 s3, s9;
	s6 =	sadd.s32 @!p0 $0x88, s6;
	s7 =	simm.s32 @p2 $0x1082  }
0x22: {  	[simem:s7], [sflag:s8] =	dma.local @!p0 [hbm:s6], $0xF7A  }
0x23: {  	s9 =	sor.u32 $0xD0000000, s2;
	s6 =	simm.s32 $0x108;
	_ =	swait.ge @!p0 [sflag:s8], $0x0  }
0x24: {  	s3 =	sadd.s32 $0x88, s3;
	s6 =	simm.s32 @!p1 $0x1082;
	[sflag:s4] =	ssyncset.s32 $0xFFFFF086  }
0x25: {  	[simem:s6], [sflag:s4] =	dma.local [hbm:s3], $0xF7A  }
0x26: {  	[smem:$0x3F9F] =	sst s1;
	(tag) =	ssettag s2;
	_ =	strace s9  }
0x27: {  	s1 =	sld [smem:$0x3FAF]  }
0x28: {  	s2 =	sld [smem:$0x3FB0]  }
0x29: {  	s4 =	sld [smem:$0x3FB2]  }
0x2a: {  	p0 =	seq.s32 s5, $0x0;
	s5 =	sld [smem:$0x3FB3]  }
0x2b: {  	s6 =	sld [smem:$0x3FB4]  }
0x2c: {  	s7 =	sld [smem:$0x3FB5]  }
0x2d: {  	s3 =	simm.s32 $0x108;
	s8 =	sld [smem:$0x3FB6]  }
0x2e: {  	s3 =	simm.s32 @!p0 $0x1082;
	s9 =	sld [smem:$0x3FB7]  }
0x2f: {  	lr =	sadd.s32 s0, s3;
	s0 =	sld [smem:$0x3FAE]  }
0x30: {  	s3 =	sld [smem:$0x3FB1]  }
0x31: {  	[smem:$0x3FBA] =	sst s10  }
0x32: {  	s10 =	sld [smem:$0x3FB8];
	_ =	sdelay $0x3  }
0x33: {  	p0 =	seq.s32 s10, $0x1;
	s10 =	sld [smem:$0x3FBA];
	_ =	sdelay $0x3  }
0x34: {  	[smem:$0x3FBA] =	sst s10  }
0x35: {  	s10 =	sld [smem:$0x3FB9];
	_ =	sdelay $0x3  }
0x36: {  	p1 =	seq.s32 s10, $0x1;
	s10 =	sld [smem:$0x3FBA];
	_ =	sdelay $0x3  }
0x37: {  	[smem:$0x3FBA] =	sst s10  }
0x38: {  	s10 =	sld [smem:$0x3FBB]  }
0x39: {  	_ = 	snop;
	(pc) =	sbr.ind lr, $3  }
0x3a: {  	_ = 	snop  }
0x3b: {  	_ = 	snop  }
0x3c: {  	p2 =	seq.s32 s10, $0x1;
	s10 =	sld [smem:$0x3FBA]  }
0x3d: {  	_ =	shalt  }
0x3e: {  	_ =	shalt  }
0x3f: {  	_ =	shalt  }
0x40: {  	_ =	shalt  }
0x41: {  	_ =	shalt  }
0x42: {  	_ =	shalt  }
0x43: {  	_ =	shalt  }
0x44: {  	_ =	shalt  }
0x45: {  	_ =	shalt  }
0x46: {  	_ =	shalt  }
0x47: {  	_ =	shalt  }
0x48: {  	_ =	shalt  }
0x49: {  	_ =	shalt  }
0x4a: {  	_ =	shalt  }
0x4b: {  	_ =	shalt  }
0x4c: {  	_ =	shalt  }
0x4d: {  	_ =	shalt  }
0x4e: {  	_ =	shalt  }
0x4f: {  	_ =	shalt  }
0x50: {  	_ =	shalt  }
0x51: {  	_ =	shalt  }
0x52: {  	_ =	shalt  }
0x53: {  	_ =	shalt  }
0x54: {  	_ =	shalt  }
0x55: {  	_ =	shalt  }
0x56: {  	_ =	shalt  }
0x57: {  	_ =	shalt  }
0x58: {  	_ =	shalt  }
0x59: {  	_ =	shalt  }
0x5a: {  	_ =	shalt  }
0x5b: {  	_ =	shalt  }
0x5c: {  	_ =	shalt  }
0x5d: {  	_ =	shalt  }
0x5e: {  	_ =	shalt  }
0x5f: {  	_ =	shalt  }
0x60: {  	_ =	shalt  }
0x61: {  	_ =	shalt  }
0x62: {  	_ =	shalt  }
0x63: {  	_ =	shalt  }
0x64: {  	_ =	shalt  }
0x65: {  	_ =	shalt  }
0x66: {  	_ =	shalt  }
0x67: {  	_ =	shalt  }
0x68: {  	_ =	shalt  }
0x69: {  	_ =	shalt  }
0x6a: {  	_ =	shalt  }
0x6b: {  	_ =	shalt  }
0x6c: {  	_ =	shalt  }
0x6d: {  	_ =	shalt  }
0x6e: {  	_ =	shalt  }
0x6f: {  	_ =	shalt  }
0x70: {  	_ =	shalt  }
0x71: {  	_ =	shalt  }
0x72: {  	_ =	shalt  }
0x73: {  	_ =	shalt  }
0x74: {  	_ =	shalt  }
0x75: {  	_ =	shalt  }
0x76: {  	_ =	shalt  }
0x77: {  	_ =	shalt  }
0x78: {  	_ =	shalt  }
0x79: {  	_ =	shalt  }
0x7a: {  	_ =	shalt  }
0x7b: {  	_ =	shalt  }
0x7c: {  	_ =	shalt  }
0x7d: {  	_ =	shalt  }
0x7e: {  	_ =	shalt  }
0x7f: {  	_ =	shalt  }
0x80: {  	_ =	shalt  }
0x81: {  	_ =	shalt  }
0x82: {  	_ =	shalt  }
0x83: {  	_ =	shalt  }
0x84: {  	_ =	shalt  }
0x85: {  	_ =	shalt  }
0x86: {  	_ =	shalt  }
0x87: {  	_ =	shalt  }
.Lfunc_end0:
.L_simem_size_0:
called_computation_lowered:
.L_overlay_start_0:
0x88: {  	s2 =	sld [smem:$0x3FD9]  }
0x89: {  	s3 =	sld [smem:$0x3FFE];
	_ =	sdelay $0x1  }
0x8a: {  	s1 =	srdreg.scid  }
0x8b: {  	s0 =	sand.u32 $0x1, s1  }
0x8c: {  	s15 =	sshll.u32 s0, $0xA;
	s2 =	sadd.s32 s3, s2  }
0x8d: {  	s2 =	sadd.s32 s2, s15  }
0x8e: {  	[smem:$0x3FC6] =	sst s2  }
0x8f: {  	_ = 	snop  }
0x90: {  	s2 =	sld [smem:$0x3FD0];
	_ =	sdelay $0x2  }
0x91: {  	s4 =	simm.s32 $0xA;
	s5 =	simm.s32 $0x10;
	s16 =	sld [smem:$0x3FC9]  }
0x92: {  	[smem:s5], [sflag:s4] =	dma.local [hbm:s2], $0x1  }
0x93: {  	_ =	swait.eq [sflag:s4], $0x1  }
0x94: {  	s17 =	sld [smem:$0x10];
	[sflag:s4] =	ssyncset.done $0x0  }
0x95: {  	s18 =	sld [smem:$0x11];
	[sflag:s4] =	ssyncadd.s32 $0xFFFFFFFF  }
0x96: {  	s19 =	sld [smem:$0x12];
	(tm) =	ssettm $0x1  }
0x97: {  	s6 =	sld [smem:$0x3FFB];
	_ =	sdelay $0x3  }
0x98: {  	_ =	strace s6  }
0x99: {  	s6 =	sld [smem:$0x3FFC];
	_ =	sdelay $0x3  }
0x9a: {  	_ =	strace s6  }
0x9b: {  	s6 =	sld [smem:$0x3FFD];
	_ =	sdelay $0x3  }
0x9c: {  	_ =	strace s6  }
0x9d: {  	_ =	strace $0x8FFFFFFF  }
0x9e: {  	s20 =	sld [smem:$0x3FDB];
	_ =	sdelay $0x1  }
0x9f: {  	s7 =	simm.s32 $_scs_section_size  }
0xa0: {  	s8 =	simm.s32 $_size__tile_overlayer_lowered;
	s9 =	simm.s32 $_tile_overlayer_lowered  }
0xa1: {  	s23 =	simm.s32 $0x1BFF;
	s22 =	sshll.u32 s9, $0x1;
	s6 =	sadd.s32 s7, s20  }
0xa2: {  	s10 =	simm.s32 $0x0;
	s21 =	sshll.u32 s8, $0x1;
	s8 =	sadd.s32 s22, s6  }
0xa3: {  	[timem:s10], [sflag:s23] =	dma.local [hbm:s8], s21  }
0xa4: {  	_ =	swait.ge [sflag:s23], s21  }
0xa5: {  	s7 =	ssub.s32 $0x0, s21;
	[sflag:s23] =	ssyncset.done $0x0  }
0xa6: {  	[sflag:s23] =	ssyncadd.s32 s7;
	_ =	sdelay $0x1  }
0xa7: {  	s24 =	simm.s32 $0x1B8B  }
0xa8: {  	_ =	swait.ge [sflag:s24], $0x1  }
0xa9: {  	[sflag:s24] =	ssyncset.done $0x0  }
0xaa: {  	s25 =	simm.s32 $0x1B8E;
	[sflag:s24] =	ssyncadd.s32 $0xFFFFFFFF  }
0xab: {  	s26 =	simm.s32 $execute0_lowered;
	[smem:$0x3FD2] =	sst s25  }
0xac: {  	s7 =	sshll.u32 s26, $0x1;
	_ =	strace $0x80000046;
	[dreg:$0x1] =	wrdreg $0xFFFFFFFF  }
0xad: {  	s28 =	simm.s32 $_size_execute0_lowered;
	s6 =	sadd.s32 s6, s7;
	[dreg:$0x0] =	wrdreg $0x0  }
0xae: {  	s7 =	sshll.u32 s28, $0x1;
	[dreg:$0x2] =	wrdreg s6  }
0xaf: {  	[dreg:$0x3] =	wrdreg s7  }
0xb0: {  	[dreg:$0x4] =	wrdreg $0xC0  }
0xb1: {  	_ =	task [dreg:s10], $0x5FFFF  }
0xb2: {  	[dreg:$0x1] =	wrdreg $0xFFFFFFFF  }
0xb3: {  	[dreg:$0x0] =	wrdreg $0x60  }
0xb4: {  	[dreg:$0x2] =	wrdreg s16  }
0xb5: {  	[dreg:$0x3] =	wrdreg s19  }
0xb6: {  	[dreg:$0x4] =	wrdreg s17  }
0xb7: {  	[dreg:$0x5] =	wrdreg s18  }
0xb8: {  	[dreg:$0x6] =	wrdreg $0x9  }
0xb9: {  	_ =	task.clear_ibuf [dreg:s10], $0x7FFFF;
	_ =	strace $0x90000046  }
0xba: {  	s29 =	simm.s32 $0x9;
	_ =	strace $0x80000048  }
0xbb: {  	_ =	swait.ge [sflag:s29], $0x1  }
0xbc: {  	[sflag:s29] =	ssyncadd.s32 $0xFFFFFFFF  }
0xbd: {  	_ =	strace $0x90000048  }
0xbe: {  	_ =	sfence  }
0xbf: {  	s30 =	sld [smem:$0x0];
	_ =	sdelay $0x2  }
0xc0: {  	s31 =	sshll.u32 s1, $0xD;
	s1 =	sshrl.u32 s1, $0x2  }
0xc1: {  	s3 =	sand.u32 $0x4000, s31;
	s1 =	sadd.s32 s1, s30  }
0xc2: {  	s0 =	sor.u32 s3, s0;
	s1 =	sshll.u32 s1, $0x11  }
0xc3: {  	s0 =	sor.u32 s1, s0  }
0xc4: {  	s0 =	sadd.s32 $0x8F2B, s0  }
0xc5: {  	[sflag:s0] =	ssyncadd.remote.s32 $0x1  }
0xc6: {  	_ =	sfence.sel $0xFFFF  }
0xc7: {  	[dreg:$0x0] =	wrdreg $0xFFFFFFFF;
	(pc) =	sbr.abs _section_cstart, $3  }
0xc8: {  	[dreg:$0x1] =	wrdreg $0xFFFFFFFF  }
0xc9: {  	_ =	task.clear_ibuf [dreg:s10], $0x2FFFF;
	_ =	strace $0x9FFFFFFF  }
0xca: {  	(tm) =	ssettm $0x7FFFFFFF  }
0xcb: {  	_ =	shalt  }
tec
execute0_lowered:
.L_overlay_start_1:
0x0: {  	(tag) =	ssettag $0x1  }
0x1: {  	s1 =	rddreg [dreg:$0x0]  }
0x2: {  	s10 =	rddreg [dreg:$0x1];
	s0 =	srdreg.scid  }
0x3: {  	s8 =	stileid.u32;
	s4 =	rddreg [dreg:$0x2]  }
0x4: {  	s3 =	rddreg [dreg:$0x3];
	s6 =	simm.s32 $0x0;
	s16 =	simm.s32 $0x9000  }
0x5: {  	s17 =	simm.s32 $0x4;
	s19 =	simm.s32 $0x6;
	s20 =	simm.s32 $0x7  }
0x6: {  	s21 =	simm.s32 $0x8;
	s0 =	sand.u32 $0x1, s0;
	s2 =	sshll.u32 s8, $0x1  }
0x7: {  	s9 =	smul.u32 $0x240, s8;
	[smem:$0x7FF] =	sst s6;
	s8 =	sadd.s32 $0x100, s1  }
0x8: {  	s2 =	sor.u32 s0, s2;
	s7 =	ssub.s32 $0x2, s0;
	s0 =	smul.u32 $0x120, s0  }
0x9: {  	_ =	strace $0x80000047;
	s5 =	smul.u32 $0x120, s2;
	s22 =	sshrl.u32 s7, $0x1  }
0xa: {  	s24 =	smul.u32 $0x90, s2;
	s18 =	sshll.u32 s2, $0x1;
	s2 =	simm.s32 $0x12780  }
0xb: {  	s12 =	ssub.s32 s7, s22;
	s9 =	sadd.s32 s0, s9;
	s0 =	simm.s32 $0x1AF80  }
0xc: {  	v1 =	vmov s18;
	s18 =	simm.s32 $0x5;
	s22 =	simm.s32 $0x3;
	s23 =	sshrl.u32 s5, $0x3  }
0xd: {  	s25 =	sshrl.u32 s9, $0x3;
	s11 =	sor.u32 $0x18, s9;
	s14 =	sadd.s32 $0x30, s9  }
0xe: {  	s12 =	smax.u32 s12, $0x1;
	s7 =	sadd.s32 s10, s23;
	s13 =	smul.u32 $0x300, s25  }
0xf: {  	s11 =	sshrl.u32 s11, $0x3;
	s10 =	sadd.s32 $0x200, s1;
	s26 =	sshrl.u32 s14, $0x3  }
0x10: {  	s14 =	simm.s32 $0x2;
	s23 =	simm.s32 $0x16F80;
	s15 =	smul.u32 $0x300, s11  }
0x11: {  	s25 =	simm.s32 $0x0;
	s29 =	smul.u32 $0x300, s26;
	s28 =	sadd.s32 s13, s4  }
0x12: {  	v0 =	vlaneseq.u32;
	s11 =	sadd.s32 s3, s24;
	[dreg:$0x5] =	wrdreg s28;
	s30 =	sadd.s32 s15, s4  }
0x13: {  	vm0 =	vmmov $0xffff;
	v5 =	vimm.s32 $0x0;
	v3 =	vshrl.u32 v0, $0x3;
	s24 =	simm.s32 $0xDF80;
	s31 =	sadd.s32 s29, s4;
	[dreg:$0x6] =	wrdreg s30  }
0x14: {  	v2 =	vand.u32 $0x7, v0;
	v4 =	vor.u32 $0x8, v0;
	v3 =	vmul.u32 $0x8, v3;
	s13 =	simm.s32 $0x1;
	s15 =	simm.s32 $0x9780;
	[dreg:$0x7] =	wrdreg s31  }
.LBB2_1:
0x15: {  	s3 =	simm.s32 $0x9480  }
0x16: {  	[tilespmem:s3], [sflag:$0x2] =	stream.linear.gather [hbm4b:s7+s6], $0x120, $0x38;
	[tilespmem:$0x1B780] =	vst v63  }
0x17: {  	s31 =	rddreg [dreg:$0x1]  }
0x18: {  	[tilespmem:s6], [sflag:$0x1] =	stream.linear.gather [hbm4b:s31+s6], $0x9000, $0x38;
	[tilespmem:$0x1B780] =	vst v63  }
0x19: {  	_ =	swait.ge [sflag:s14], $0x120  }
0x1a: {  	[sflag:s14] =	ssyncset.done $0x0  }
0x1b: {  	s26 =	simm.s32 $0x0;
	[sflag:s14] =	ssyncadd.s32 $0xFFFFFEE0  }
0x1c: {  	v6 =	vld [tilespmem:s26+$0x9480];
	_ =	sdelay $0x3  }
0x1d: {  	s28 =	simm.s32 $0x40;
	v7 =	vor.u32 s9, v0;
	s29 =	smov.u32 s9  }
.LBB2_2:
0x1e: {  	s30 =	sshra.s32 s28, $0x2;
	p0 =	sne.s32 s28, $0x440;
	s28 =	sadd.s32 $0x40, s28;
	v8 =	vshll.u32 v6, $0x6;
	v7 =	vand.u32 $0x3F, v7  }
.Ltmp0:
0x1f: {  	v6 =	vld [tilespmem:s30+$0x9480];
	v7 =	vor.u32 v7, v8;
	(pc) =	sbr.rel @p0 .LBB2_2-.Ltmp0, $3  }
0x20: {  	[tilespmem:s26+$0x9600] =	vst v7;
	s26 =	smov.u32 s30;
	_ =	sdelay $0x1  }
0x21: {  	s29 =	sadd.s32 $0x10, s29  }
0x22: {  	v7 =	vor.u32 s29, v0  }
0x23: {  	v6 =	vshll.u32 v6, $0x6;
	v7 =	vand.u32 $0x3F, v7  }
0x24: {  	v6 =	vor.u32 v7, v6  }
0x25: {  	[tilespmem:s26+$0x9600] =	vst v6  }
0x26: {  	v6 =	vld [tilespmem:$0x9600];
	_ =	sdelay $0x4  }
0x27: {  	v7 =	vshrl.u32 v6, $0x3  }
0x28: {  	v7 =	vmul.u32 $0x30, v7  }
0x29: {  	v6 =	vand.u32 $0x7, v6  }
0x2a: {  	v6 =	vor.u32 v6, v7  }
0x2b: {  	v7 =	vperm.xlane v6, v2;
	_ =	sdelay $0x1  }
0x2c: {  	v7 =	vadd.s32 v3, v7;
	_ =	sdelay $0x3  }
0x2d: {  	s26 =	simm.s32 $0x0;
	v6 =	vperm.xlane v6, v4  }
0x2e: {  	[tilespmem:s15], [sflag:$0x4] =	stream.indirect_vreg.gather [hbm4b:s1+s26], $0x80, v7, vm0, $0xb8;
	[tilespmem:$0x1B780] =	vst v63  }
0x2f: {  	s3 =	simm.s32 $0x9F80;
	v6 =	vadd.s32 v3, v6  }
0x30: {  	[tilespmem:s3], [sflag:$0x4] =	stream.indirect_vreg.gather [hbm4b:s8+s26], $0x80, v7, vm0, $0xb8;
	[tilespmem:$0x1B780] =	vst v63  }
0x31: {  	s29 =	simm.s32 $0xA780  }
0x32: {  	[tilespmem:s29], [sflag:$0x4] =	stream.indirect_vreg.gather [hbm4b:s10+s26], $0x80, v7, vm0, $0xb8;
	[tilespmem:$0x1B780] =	vst v63  }
0x33: {  	s30 =	simm.s32 $0xAF80  }
0x34: {  	[tilespmem:s30], [sflag:$0x4] =	stream.indirect_vreg.gather [hbm4b:s1+s26], $0x80, v6, vm0, $0xb8;
	[tilespmem:$0x1B780] =	vst v63  }
0x35: {  	s31 =	simm.s32 $0xB780  }
0x36: {  	[tilespmem:s31], [sflag:$0x4] =	stream.indirect_vreg.gather [hbm4b:s8+s26], $0x80, v6, vm0, $0xb8;
	[tilespmem:$0x1B780] =	vst v63  }
0x37: {  	s29 =	simm.s32 $0xBF80  }
0x38: {  	[tilespmem:s29], [sflag:$0x4] =	stream.indirect_vreg.gather [hbm4b:s10+s26], $0x80, v6, vm0, $0xb8;
	[tilespmem:$0x1B780] =	vst v63  }
0x39: {  	v6 =	vld.msk [tilespmem:$0x9610], $0xff;
	_ =	sdelay $0x4  }
0x3a: {  	v7 =	vshrl.u32 v6, $0x3  }
0x3b: {  	v7 =	vmul.u32 $0x30, v7  }
0x3c: {  	v6 =	vand.u32 $0x7, v6  }
0x3d: {  	v6 =	vor.u32 v6, v7  }
0x3e: {  	v6 =	vperm.xlane v6, v2;
	_ =	sdelay $0x1  }
0x3f: {  	v6 =	vadd.s32 v3, v6;
	_ =	sdelay $0x3  }
0x40: {  	s30 =	simm.s32 $0xC780  }
0x41: {  	[tilespmem:s30], [sflag:$0x4] =	stream.indirect_vreg.gather [hbm4b:s1+s26], $0x80, v6, vm0, $0xb8;
	[tilespmem:$0x1B780] =	vst v63  }
0x42: {  	s31 =	simm.s32 $0xCF80  }
0x43: {  	[tilespmem:s31], [sflag:$0x4] =	stream.indirect_vreg.gather [hbm4b:s8+s26], $0x80, v6, vm0, $0xb8;
	[tilespmem:$0x1B780] =	vst v63  }
0x44: {  	s29 =	simm.s32 $0xD780  }
0x45: {  	[tilespmem:s29], [sflag:$0x4] =	stream.indirect_vreg.gather [hbm4b:s10+s26], $0x80, v6, vm0, $0xb8;
	[tilespmem:$0x1B780] =	vst v63  }
0x46: {  	v6 =	vld [tilespmem:$0x9618];
	_ =	sdelay $0x4  }
0x47: {  	v7 =	vshrl.u32 v6, $0x3  }
0x48: {  	v7 =	vmul.u32 $0x30, v7  }
0x49: {  	v6 =	vand.u32 $0x7, v6  }
0x4a: {  	v6 =	vor.u32 v6, v7  }
0x4b: {  	v7 =	vperm.xlane v6, v2;
	_ =	sdelay $0x1  }
0x4c: {  	v7 =	vadd.s32 v3, v7;
	_ =	sdelay $0x3  }
0x4d: {  	v6 =	vperm.xlane v6, v4  }
0x4e: {  	[tilespmem:s24], [sflag:$0x4] =	stream.indirect_vreg.gather [hbm4b:s1+s26], $0x80, v7, vm0, $0xb8;
	[tilespmem:$0x1B780] =	vst v63  }
0x4f: {  	s30 =	simm.s32 $0xE780;
	v6 =	vadd.s32 v3, v6  }
0x50: {  	[tilespmem:s30], [sflag:$0x4] =	stream.indirect_vreg.gather [hbm4b:s8+s26], $0x80, v7, vm0, $0xb8;
	[tilespmem:$0x1B780] =	vst v63  }
0x51: {  	s31 =	simm.s32 $0xEF80  }
0x52: {  	[tilespmem:s31], [sflag:$0x4] =	stream.indirect_vreg.gather [hbm4b:s10+s26], $0x80, v7, vm0, $0xb8;
	[tilespmem:$0x1B780] =	vst v63  }
0x53: {  	s29 =	simm.s32 $0xF780  }
0x54: {  	[tilespmem:s29], [sflag:$0x4] =	stream.indirect_vreg.gather [hbm4b:s1+s26], $0x80, v6, vm0, $0xb8;
	[tilespmem:$0x1B780] =	vst v63  }
0x55: {  	s30 =	simm.s32 $0xFF80  }
0x56: {  	[tilespmem:s30], [sflag:$0x4] =	stream.indirect_vreg.gather [hbm4b:s8+s26], $0x80, v6, vm0, $0xb8;
	[tilespmem:$0x1B780] =	vst v63  }
0x57: {  	s31 =	simm.s32 $0x10780  }
0x58: {  	[tilespmem:s31], [sflag:$0x4] =	stream.indirect_vreg.gather [hbm4b:s10+s26], $0x80, v6, vm0, $0xb8;
	[tilespmem:$0x1B780] =	vst v63  }
0x59: {  	v6 =	vld.msk [tilespmem:$0x9628], $0xff;
	_ =	sdelay $0x4  }
0x5a: {  	v7 =	vshrl.u32 v6, $0x3  }
0x5b: {  	v7 =	vmul.u32 $0x30, v7  }
0x5c: {  	v6 =	vand.u32 $0x7, v6  }
0x5d: {  	v6 =	vor.u32 v6, v7  }
0x5e: {  	v6 =	vperm.xlane v6, v2;
	_ =	sdelay $0x1  }
0x5f: {  	v6 =	vadd.s32 v3, v6;
	_ =	sdelay $0x3  }
0x60: {  	s29 =	simm.s32 $0x10F80  }
0x61: {  	[tilespmem:s29], [sflag:$0x4] =	stream.indirect_vreg.gather [hbm4b:s1+s26], $0x80, v6, vm0, $0xb8;
	[tilespmem:$0x1B780] =	vst v63  }
0x62: {  	s30 =	simm.s32 $0x11780  }
0x63: {  	[tilespmem:s30], [sflag:$0x4] =	stream.indirect_vreg.gather [hbm4b:s8+s26], $0x80, v6, vm0, $0xb8;
	[tilespmem:$0x1B780] =	vst v63  }
0x64: {  	s31 =	simm.s32 $0x11F80  }
0x65: {  	[tilespmem:s31], [sflag:$0x4] =	stream.indirect_vreg.gather [hbm4b:s10+s26], $0x80, v6, vm0, $0xb8;
	[tilespmem:$0x1B780] =	vst v63  }
0x66: {  	v6 =	vld [tilespmem:$0x9630];
	_ =	sdelay $0x4  }
0x67: {  	v7 =	vshrl.u32 v6, $0x3  }
0x68: {  	v7 =	vmul.u32 $0x30, v7  }
0x69: {  	v6 =	vand.u32 $0x7, v6  }
0x6a: {  	v6 =	vor.u32 v6, v7  }
0x6b: {  	v7 =	vperm.xlane v6, v2;
	_ =	sdelay $0x1  }
0x6c: {  	v7 =	vadd.s32 v3, v7;
	_ =	sdelay $0x3  }
0x6d: {  	v6 =	vperm.xlane v6, v4  }
0x6e: {  	[tilespmem:s2], [sflag:$0x4] =	stream.indirect_vreg.gather [hbm4b:s1+s26], $0x80, v7, vm0, $0xb8;
	[tilespmem:$0x1B780] =	vst v63  }
0x6f: {  	s29 =	simm.s32 $0x12F80;
	v6 =	vadd.s32 v3, v6  }
0x70: {  	[tilespmem:s29], [sflag:$0x4] =	stream.indirect_vreg.gather [hbm4b:s8+s26], $0x80, v7, vm0, $0xb8;
	[tilespmem:$0x1B780] =	vst v63  }
0x71: {  	s30 =	simm.s32 $0x13780  }
0x72: {  	[tilespmem:s30], [sflag:$0x4] =	stream.indirect_vreg.gather [hbm4b:s10+s26], $0x80, v7, vm0, $0xb8;
	[tilespmem:$0x1B780] =	vst v63  }
0x73: {  	s31 =	simm.s32 $0x13F80  }
0x74: {  	[tilespmem:s31], [sflag:$0x4] =	stream.indirect_vreg.gather [hbm4b:s1+s26], $0x80, v6, vm0, $0xb8;
	[tilespmem:$0x1B780] =	vst v63  }
0x75: {  	s29 =	simm.s32 $0x14780  }
0x76: {  	[tilespmem:s29], [sflag:$0x4] =	stream.indirect_vreg.gather [hbm4b:s8+s26], $0x80, v6, vm0, $0xb8;
	[tilespmem:$0x1B780] =	vst v63  }
0x77: {  	s30 =	simm.s32 $0x14F80  }
0x78: {  	[tilespmem:s30], [sflag:$0x4] =	stream.indirect_vreg.gather [hbm4b:s10+s26], $0x80, v6, vm0, $0xb8;
	[tilespmem:$0x1B780] =	vst v63  }
0x79: {  	v6 =	vld.msk [tilespmem:$0x9640], $0xff;
	_ =	sdelay $0x4  }
0x7a: {  	v7 =	vshrl.u32 v6, $0x3  }
0x7b: {  	v7 =	vmul.u32 $0x30, v7  }
0x7c: {  	v6 =	vand.u32 $0x7, v6  }
0x7d: {  	v6 =	vor.u32 v6, v7  }
0x7e: {  	v6 =	vperm.xlane v6, v2;
	_ =	sdelay $0x1  }
0x7f: {  	v6 =	vadd.s32 v3, v6;
	_ =	sdelay $0x3  }
0x80: {  	s31 =	simm.s32 $0x15780  }
0x81: {  	[tilespmem:s31], [sflag:$0x4] =	stream.indirect_vreg.gather [hbm4b:s1+s26], $0x80, v6, vm0, $0xb8;
	[tilespmem:$0x1B780] =	vst v63  }
0x82: {  	s29 =	simm.s32 $0x15F80  }
0x83: {  	[tilespmem:s29], [sflag:$0x4] =	stream.indirect_vreg.gather [hbm4b:s8+s26], $0x80, v6, vm0, $0xb8;
	[tilespmem:$0x1B780] =	vst v63  }
0x84: {  	s30 =	simm.s32 $0x16780  }
0x85: {  	[tilespmem:s30], [sflag:$0x4] =	stream.indirect_vreg.gather [hbm4b:s10+s26], $0x80, v6, vm0, $0xb8;
	[tilespmem:$0x1B780] =	vst v63  }
0x86: {  	v6 =	vld [tilespmem:$0x9648];
	_ =	sdelay $0x4  }
0x87: {  	v7 =	vshrl.u32 v6, $0x3  }
0x88: {  	v7 =	vmul.u32 $0x30, v7  }
0x89: {  	v6 =	vand.u32 $0x7, v6  }
0x8a: {  	v6 =	vor.u32 v6, v7  }
0x8b: {  	v7 =	vperm.xlane v6, v2;
	_ =	sdelay $0x1  }
0x8c: {  	v7 =	vadd.s32 v3, v7;
	_ =	sdelay $0x3  }
0x8d: {  	v6 =	vperm.xlane v6, v4  }
0x8e: {  	[tilespmem:s23], [sflag:$0x4] =	stream.indirect_vreg.gather [hbm4b:s1+s26], $0x80, v7, vm0, $0xb8;
	[tilespmem:$0x1B780] =	vst v63  }
0x8f: {  	s31 =	simm.s32 $0x17780;
	v6 =	vadd.s32 v3, v6  }
0x90: {  	[tilespmem:s31], [sflag:$0x4] =	stream.indirect_vreg.gather [hbm4b:s8+s26], $0x80, v7, vm0, $0xb8;
	[tilespmem:$0x1B780] =	vst v63  }
0x91: {  	s29 =	simm.s32 $0x17F80  }
0x92: {  	[tilespmem:s29], [sflag:$0x4] =	stream.indirect_vreg.gather [hbm4b:s10+s26], $0x80, v7, vm0, $0xb8;
	[tilespmem:$0x1B780] =	vst v63  }
0x93: {  	s30 =	simm.s32 $0x18780  }
0x94: {  	[tilespmem:s30], [sflag:$0x4] =	stream.indirect_vreg.gather [hbm4b:s1+s26], $0x80, v6, vm0, $0xb8;
	[tilespmem:$0x1B780] =	vst v63  }
0x95: {  	s31 =	simm.s32 $0x18F80  }
0x96: {  	[tilespmem:s31], [sflag:$0x4] =	stream.indirect_vreg.gather [hbm4b:s8+s26], $0x80, v6, vm0, $0xb8;
	[tilespmem:$0x1B780] =	vst v63  }
0x97: {  	s29 =	simm.s32 $0x19780  }
0x98: {  	[tilespmem:s29], [sflag:$0x4] =	stream.indirect_vreg.gather [hbm4b:s10+s26], $0x80, v6, vm0, $0xb8;
	[tilespmem:$0x1B780] =	vst v63  }
0x99: {  	v6 =	vld.msk [tilespmem:$0x9658], $0xff;
	_ =	sdelay $0x4  }
0x9a: {  	v7 =	vshrl.u32 v6, $0x3  }
0x9b: {  	v7 =	vmul.u32 $0x30, v7  }
0x9c: {  	v6 =	vand.u32 $0x7, v6  }
0x9d: {  	v6 =	vor.u32 v6, v7;
	v7 =	vor.u32 s26, v0  }
0x9e: {  	v6 =	vperm.xlane v6, v2;
	v8 =	vmulhi.u32 $0x38E38E39, v7;
	_ =	sdelay $0x1  }
0x9f: {  	v9 =	vadd.s32 v3, v6;
	v6 =	vshrl.u32 v8, $0x7  }
0xa0: {  	v6 =	vmul.u32 $0x240, v6;
	_ =	sdelay $0x1  }
0xa1: {  	v8 =	vmov s26;
	v6 =	vsub.s32 v7, v6  }
0xa2: {  	s30 =	simm.s32 $0x19F80;
	vm2 =	veq.s32 v8, v0;
	v7 =	vmulhi.u32 $0x38E38E39, v8;
	vm1 =	vne.s32 v6, $0x0  }
0xa3: {  	[tilespmem:s30], [sflag:$0x4] =	stream.indirect_vreg.gather [hbm4b:s1+s26], $0x80, v9, vm0, $0xb8;
	vm1 =	vmand vm2, vm1;
	[tilespmem:$0x1B780] =	vst v63  }
0xa4: {  	s28 =	simm.s32 $0x10;
	s31 =	simm.s32 $0x1A780;
	v10 =	vshll.u32 v6, $0x6;
	v7 =	vshrl.u32 v7, $0x7;
	v8 =	vsel vm1, $0xFFFFFFFF, v5  }
0xa5: {  	[tilespmem:s31], [sflag:$0x4] =	stream.indirect_vreg.gather [hbm4b:s8+s26], $0x80, v9, vm0, $0xb8;
	v8 =	vadd.s32 v8, v7;
	v7 =	vor.u32 v1, v10;
	[tilespmem:$0x1B780] =	vst v63  }
0xa6: {  	v10 =	vor.u32 s28, v0;
	v7 =	vadd.s32 v8, v7  }
0xa7: {  	v11 =	vmulhi.u32 $0x38E38E39, v10;
	[tilespmem:s0], [sflag:$0x4] =	stream.indirect_vreg.gather [hbm4b:s10+s26], $0x80, v9, vm0, $0xb8;
	[tilespmem:$0x1B780] =	vst v63  }
0xa8: {  	_ =	swait.ge [sflag:s13], $0x9000  }
0xa9: {  	v9 =	vshrl.u32 v11, $0x7;
	[sflag:s13] =	ssyncset.done $0x0  }
0xaa: {  	v9 =	vmul.u32 $0x240, v9;
	[sflag:s13] =	ssyncadd.s32 $0xFFFF7000  }
0xab: {  	v11 =	vld.idx.msk [tilespmem:v7+s6+$0x0], $0xffff  }
0xac: {  	v12 =	vmov s28;
	v7 =	vsub.s32 v10, v9  }
0xad: {  	vm2 =	veq.s32 v12, v0;
	v9 =	vmulhi.u32 $0x38E38E39, v12;
	vm1 =	vne.s32 v7, $0x0  }
0xae: {  	v10 =	vmul.u32 $0x240, v8;
	vm1 =	vmand vm2, vm1  }
0xaf: {  	v63 =	vshll.u32 v7, $0x6;
	v8 =	vshrl.u32 v9, $0x7;
	v9 =	vsel vm1, $0xFFFFFFFF, v5  }
0xb0: {  	v8 =	vadd.s32 v9, v8;
	v9 =	vor.u32 v1, v63;
	v11 =	vadd.s32 v10, v11  }
0xb1: {  	s26 =	simm.s32 $0x20;
	v10 =	vadd.s32 v8, v9  }
0xb2: {  	s28 =	simm.s32 $0x30;
	v9 =	vor.u32 s26, v0  }
.LBB2_4:
0xb3: {  	p0 =	sne.s32 s28, $0x470;
	v12 =	vmulhi.u32 $0x38E38E39, v9;
	_ =	sdelay $0x1  }
0xb4: {  	v12 =	vshrl.u32 v12, $0x7;
	[tilespmem:v11+s16+$0x0] =	vst.idx.msk $0xffff, v6;
	v6 =	vmov v7  }
0xb5: {  	v7 =	vmul.u32 $0x240, v12;
	v10 =	vld.idx.msk [tilespmem:v10+s6+$0x0], $0xffff;
	_ =	sdelay $0x1  }
0xb6: {  	v11 =	vmov s26;
	s26 =	smov.u32 s28;
	v7 =	vsub.s32 v9, v7  }
0xb7: {  	vm2 =	veq.s32 v11, v0;
	v9 =	vmulhi.u32 $0x38E38E39, v11;
	vm1 =	vne.s32 v7, $0x0  }
.Ltmp1:
0xb8: {  	v11 =	vmul.u32 $0x240, v8;
	vm1 =	vmand vm2, vm1;
	(pc) =	sbr.rel @p0 .LBB2_4-.Ltmp1, $4  }
0xb9: {  	v12 =	vshll.u32 v7, $0x6;
	v8 =	vshrl.u32 v9, $0x7;
	v9 =	vsel vm1, $0xFFFFFFFF, v5  }
0xba: {  	v11 =	vadd.s32 v11, v10;
	v8 =	vadd.s32 v9, v8;
	v9 =	vor.u32 v1, v12  }
0xbb: {  	v10 =	vadd.s32 v8, v9  }
0xbc: {  	s28 =	sadd.s32 $0x10, s28;
	v9 =	vor.u32 s26, v0  }
0xbd: {  	_ = 	snop  }
0xbe: {  	v12 =	vmulhi.u32 $0x38E38E39, v9;
	_ =	sdelay $0x1  }
0xbf: {  	v12 =	vshrl.u32 v12, $0x7  }
0xc0: {  	[tilespmem:v11+s16+$0x0] =	vst.idx.msk $0xffff, v6;
	v6 =	vmul.u32 $0x240, v12  }
0xc1: {  	v10 =	vld.idx.msk [tilespmem:v10+s6+$0x0], $0xffff  }
0xc2: {  	v57 =	vmov s26;
	v6 =	vsub.s32 v9, v6  }
0xc3: {  	v58 =	vmulhi.u32 $0x38E38E39, v57;
	vm2 =	veq.s32 v57, v0;
	vm1 =	vne.s32 v6, $0x0  }
0xc4: {  	v8 =	vmul.u32 $0x240, v8;
	vm1 =	vmand vm2, vm1  }
0xc5: {  	v9 =	vshrl.u32 v58, $0x7;
	v60 =	vshll.u32 v6, $0x6;
	v59 =	vsel vm1, $0xFFFFFFFF, v5  }
0xc6: {  	v8 =	vadd.s32 v8, v10;
	v61 =	vor.u32 v1, v60;
	v9 =	vadd.s32 v59, v9  }
0xc7: {  	v62 =	vadd.s32 v9, v61;
	_ =	sdelay $0x3  }
0xc8: {  	[tilespmem:v8+s16+$0x0] =	vst.idx.msk $0xffff, v7  }
0xc9: {  	v7 =	vld.idx.msk [tilespmem:v62+s6+$0x0], $0xffff;
	_ =	sdelay $0x2  }
0xca: {  	v63 =	vmul.u32 $0x240, v9;
	_ =	sdelay $0x1  }
0xcb: {  	v7 =	vadd.s32 v63, v7;
	_ =	sdelay $0x4  }
0xcc: {  	s26 =	simm.s32 $0x0;
	s28 =	simm.s32 $0x48;
	s29 =	simm.s32 $0x9658;
	[tilespmem:v7+s16+$0x0] =	vst.idx.msk $0xffff, v6  }
0xcd: {  	[hbm4b:s11+s26] =	stream.linear.scatter [tilespmem:s16], [sflag:$0x3], $0x480, $0x38;
	[tilespmem:$0x1B780] =	vst v63  }
.LBB2_6:
0xce: {  	_ =	swait.ge [sflag:s17], $0x4800  }
0xcf: {  	p0 =	seq.s32 s26, $0x0;
	[sflag:s17] =	ssyncset.done $0x0  }
0xd0: {  	s30 =	simm.s32 @!p0 $0x8;
	[sflag:s17] =	ssyncadd.s32 $0xFFFFB800  }
0xd1: {  	_ =	swait.ge @!p0 [sflag:s30], $0x4800  }
0xd2: {  	[sflag:s30] =	ssyncset.done @!p0 $0x0  }
0xd3: {  	[sflag:s30] =	ssyncadd.s32 @!p0 $0xFFFFB800  }
0xd4: {  	v6 =	vld @!p0 [tilespmem:s29+$0xFFFFFFF0];
	_ =	sdelay $0x4  }
0xd5: {  	v7 =	vshrl.u32 @!p0 v6, $0x3  }
0xd6: {  	v7 =	vmul.u32 @!p0 $0x30, v7  }
0xd7: {  	v8 =	vlaneseq.u32 @!p0;
	v6 =	vand.u32 @!p0 $0x7, v6  }
0xd8: {  	v9 =	vshrl.u32 @!p0 v8, $0x3;
	v6 =	vor.u32 @!p0 v6, v7;
	v7 =	vand.u32 @!p0 $0x7, v8  }
0xd9: {  	v9 =	vmul.u32 @!p0 $0x8, v9;
	v10 =	vperm.xlane @!p0 v6, v7;
	_ =	sdelay $0x1  }
0xda: {  	v10 =	vadd.s32 @!p0 v9, v10;
	_ =	sdelay $0x2  }
0xdb: {  	v8 =	vor.u32 @!p0 $0x8, v8  }
0xdc: {  	vm1 =	vmmov @!p0 $0xffff;
	s31 =	simm.s32 @!p0 $0x16F80;
	s30 =	simm.s32 @!p0 $0x0;
	v6 =	vperm.xlane @!p0 v6, v8  }
0xdd: {  	[tilespmem:s31], [sflag:$0x4] =	stream.indirect_vreg.gather @!p0 [hbm4b:s1+s30], $0x80, v10, vm1, $0xb8;
	[tilespmem:$0x1B780] =	vst v63  }
0xde: {  	v6 =	vadd.s32 @!p0 v9, v6;
	s31 =	simm.s32 @!p0 $0x17780  }
0xdf: {  	[tilespmem:s31], [sflag:$0x4] =	stream.indirect_vreg.gather @!p0 [hbm4b:s8+s30], $0x80, v10, vm1, $0xb8;
	[tilespmem:$0x1B780] =	vst v63  }
0xe0: {  	s31 =	simm.s32 @!p0 $0x17F80  }
0xe1: {  	[tilespmem:s31], [sflag:$0x4] =	stream.indirect_vreg.gather @!p0 [hbm4b:s10+s30], $0x80, v10, vm1, $0xb8;
	[tilespmem:$0x1B780] =	vst v63  }
0xe2: {  	s31 =	simm.s32 @!p0 $0x18780  }
0xe3: {  	[tilespmem:s31], [sflag:$0x4] =	stream.indirect_vreg.gather @!p0 [hbm4b:s1+s30], $0x80, v6, vm1, $0xb8;
	[tilespmem:$0x1B780] =	vst v63  }
0xe4: {  	s31 =	simm.s32 @!p0 $0x18F80  }
0xe5: {  	[tilespmem:s31], [sflag:$0x4] =	stream.indirect_vreg.gather @!p0 [hbm4b:s8+s30], $0x80, v6, vm1, $0xb8;
	[tilespmem:$0x1B780] =	vst v63  }
0xe6: {  	s31 =	simm.s32 @!p0 $0x19780  }
0xe7: {  	[tilespmem:s31], [sflag:$0x4] =	stream.indirect_vreg.gather @!p0 [hbm4b:s10+s30], $0x80, v6, vm1, $0xb8;
	[tilespmem:$0x1B780] =	vst v63  }
0xe8: {  	v6 =	vld.msk @!p0 [tilespmem:s29+$0x0], $0xff;
	_ =	sdelay $0x4  }
0xe9: {  	v8 =	vshrl.u32 @!p0 v6, $0x3  }
0xea: {  	v8 =	vmul.u32 @!p0 $0x30, v8  }
0xeb: {  	v6 =	vand.u32 @!p0 $0x7, v6  }
0xec: {  	v6 =	vor.u32 @!p0 v6, v8  }
0xed: {  	v6 =	vperm.xlane @!p0 v6, v7;
	_ =	sdelay $0x1  }
0xee: {  	v6 =	vadd.s32 @!p0 v9, v6;
	_ =	sdelay $0x3  }
0xef: {  	s31 =	simm.s32 @!p0 $0x19F80  }
0xf0: {  	[tilespmem:s31], [sflag:$0x4] =	stream.indirect_vreg.gather @!p0 [hbm4b:s1+s30], $0x80, v6, vm1, $0xb8;
	[tilespmem:$0x1B780] =	vst v63  }
0xf1: {  	s31 =	simm.s32 @!p0 $0x1A780  }
0xf2: {  	[tilespmem:s31], [sflag:$0x4] =	stream.indirect_vreg.gather @!p0 [hbm4b:s8+s30], $0x80, v6, vm1, $0xb8;
	[tilespmem:$0x1B780] =	vst v63  }
0xf3: {  	s3 =	simm.s32 @!p0 $0x1AF80;
	s31 =	rddreg [dreg:$0x5]  }
0xf4: {  	[tilespmem:s3], [sflag:$0x4] =	stream.indirect_vreg.gather @!p0 [hbm4b:s10+s30], $0x80, v6, vm1, $0xb8;
	[tilespmem:$0x1B780] =	vst v63  }
0xf5: {  	s30 =	sadd.s32 s26, s31  }
0xf6: {  	[hbm4b:s30+s6] =	stream.linear.scatter [tilespmem:s15], [sflag:$0x5], $0x4800, $0x38;
	[tilespmem:$0x1B780] =	vst v63  }
0xf7: {  	_ =	swait.ge [sflag:s17], $0x4800  }
0xf8: {  	[sflag:s17] =	ssyncset.done $0x0  }
0xf9: {  	[sflag:s17] =	ssyncadd.s32 $0xFFFFB800  }
0xfa: {  	_ =	swait.ge [sflag:s18], $0x4800  }
0xfb: {  	[sflag:s18] =	ssyncset.done $0x0  }
0xfc: {  	p1 =	seq.s32 s26, $0x4800;
	[sflag:s18] =	ssyncadd.s32 $0xFFFFB800  }
0xfd: {  	v6 =	vld @!p1 [tilespmem:s29+$0x8];
	_ =	sdelay $0x4  }
0xfe: {  	v7 =	vshrl.u32 @!p1 v6, $0x3  }
0xff: {  	v7 =	vmul.u32 @!p1 $0x30, v7  }
0x100: {  	v8 =	vlaneseq.u32 @!p1;
	v6 =	vand.u32 @!p1 $0x7, v6  }
0x101: {  	v9 =	vshrl.u32 @!p1 v8, $0x3;
	v6 =	vor.u32 @!p1 v6, v7;
	v7 =	vand.u32 @!p1 $0x7, v8  }
0x102: {  	v9 =	vmul.u32 @!p1 $0x8, v9;
	v10 =	vperm.xlane @!p1 v6, v7;
	_ =	sdelay $0x1  }
0x103: {  	v10 =	vadd.s32 @!p1 v9, v10;
	_ =	sdelay $0x2  }
0x104: {  	v8 =	vor.u32 @!p1 $0x8, v8  }
0x105: {  	vm1 =	vmmov @!p1 $0xffff;
	s3 =	simm.s32 @!p1 $0x9780;
	s30 =	simm.s32 @!p1 $0x0;
	v6 =	vperm.xlane @!p1 v6, v8  }
0x106: {  	[tilespmem:s3], [sflag:$0x4] =	stream.indirect_vreg.gather @!p1 [hbm4b:s1+s30], $0x80, v10, vm1, $0xb8;
	[tilespmem:$0x1B780] =	vst v63  }
0x107: {  	v6 =	vadd.s32 @!p1 v9, v6;
	s3 =	simm.s32 @!p1 $0x9F80  }
0x108: {  	[tilespmem:s3], [sflag:$0x4] =	stream.indirect_vreg.gather @!p1 [hbm4b:s8+s30], $0x80, v10, vm1, $0xb8;
	[tilespmem:$0x1B780] =	vst v63  }
0x109: {  	s3 =	simm.s32 @!p1 $0xA780  }
0x10a: {  	[tilespmem:s3], [sflag:$0x4] =	stream.indirect_vreg.gather @!p1 [hbm4b:s10+s30], $0x80, v10, vm1, $0xb8;
	[tilespmem:$0x1B780] =	vst v63  }
0x10b: {  	s3 =	simm.s32 @!p1 $0xAF80  }
0x10c: {  	[tilespmem:s3], [sflag:$0x4] =	stream.indirect_vreg.gather @!p1 [hbm4b:s1+s30], $0x80, v6, vm1, $0xb8;
	[tilespmem:$0x1B780] =	vst v63  }
0x10d: {  	s3 =	simm.s32 @!p1 $0xB780  }
0x10e: {  	[tilespmem:s3], [sflag:$0x4] =	stream.indirect_vreg.gather @!p1 [hbm4b:s8+s30], $0x80, v6, vm1, $0xb8;
	[tilespmem:$0x1B780] =	vst v63  }
0x10f: {  	s3 =	simm.s32 @!p1 $0xBF80  }
0x110: {  	[tilespmem:s3], [sflag:$0x4] =	stream.indirect_vreg.gather @!p1 [hbm4b:s10+s30], $0x80, v6, vm1, $0xb8;
	[tilespmem:$0x1B780] =	vst v63  }
0x111: {  	v6 =	vld.msk @!p1 [tilespmem:s29+$0x18], $0xff;
	_ =	sdelay $0x4  }
0x112: {  	v10 =	vshrl.u32 @!p1 v6, $0x3  }
0x113: {  	v10 =	vmul.u32 @!p1 $0x30, v10  }
0x114: {  	v6 =	vand.u32 @!p1 $0x7, v6  }
0x115: {  	v6 =	vor.u32 @!p1 v6, v10  }
0x116: {  	v6 =	vperm.xlane @!p1 v6, v7;
	_ =	sdelay $0x1  }
0x117: {  	v6 =	vadd.s32 @!p1 v9, v6;
	_ =	sdelay $0x3  }
0x118: {  	s3 =	simm.s32 @!p1 $0xC780  }
0x119: {  	[tilespmem:s3], [sflag:$0x4] =	stream.indirect_vreg.gather @!p1 [hbm4b:s1+s30], $0x80, v6, vm1, $0xb8;
	[tilespmem:$0x1B780] =	vst v63  }
0x11a: {  	s3 =	simm.s32 @!p1 $0xCF80  }
0x11b: {  	[tilespmem:s3], [sflag:$0x4] =	stream.indirect_vreg.gather @!p1 [hbm4b:s8+s30], $0x80, v6, vm1, $0xb8;
	[tilespmem:$0x1B780] =	vst v63  }
0x11c: {  	s31 =	simm.s32 @!p1 $0xD780;
	s3 =	rddreg [dreg:$0x6]  }
0x11d: {  	[tilespmem:s31], [sflag:$0x4] =	stream.indirect_vreg.gather @!p1 [hbm4b:s10+s30], $0x80, v6, vm1, $0xb8;
	[tilespmem:$0x1B780] =	vst v63  }
0x11e: {  	s3 =	sadd.s32 s26, s3  }
0x11f: {  	[hbm4b:s3+s6] =	stream.linear.scatter [tilespmem:s24], [sflag:$0x6], $0x4800, $0x38;
	[tilespmem:$0x1B780] =	vst v63  }
0x120: {  	_ =	swait.ge [sflag:s17], $0x4800  }
0x121: {  	[sflag:s17] =	ssyncset.done $0x0  }
0x122: {  	[sflag:s17] =	ssyncadd.s32 $0xFFFFB800  }
0x123: {  	_ =	swait.ge [sflag:s19], $0x4800  }
0x124: {  	[sflag:s19] =	ssyncset.done $0x0  }
0x125: {  	[sflag:s19] =	ssyncadd.s32 $0xFFFFB800  }
0x126: {  	v6 =	vld @!p1 [tilespmem:s29+$0x20];
	_ =	sdelay $0x4  }
0x127: {  	v10 =	vshrl.u32 @!p1 v6, $0x3  }
0x128: {  	v10 =	vmul.u32 @!p1 $0x30, v10  }
0x129: {  	v6 =	vand.u32 @!p1 $0x7, v6  }
0x12a: {  	v6 =	vor.u32 @!p1 v6, v10  }
0x12b: {  	v10 =	vperm.xlane @!p1 v6, v7;
	_ =	sdelay $0x1  }
0x12c: {  	v10 =	vadd.s32 @!p1 v9, v10;
	_ =	sdelay $0x3  }
0x12d: {  	s3 =	simm.s32 @!p1 $0xDF80;
	v6 =	vperm.xlane @!p1 v6, v8  }
0x12e: {  	[tilespmem:s3], [sflag:$0x4] =	stream.indirect_vreg.gather @!p1 [hbm4b:s1+s30], $0x80, v10, vm1, $0xb8;
	[tilespmem:$0x1B780] =	vst v63  }
0x12f: {  	v6 =	vadd.s32 @!p1 v9, v6;
	s3 =	simm.s32 @!p1 $0xE780  }
0x130: {  	[tilespmem:s3], [sflag:$0x4] =	stream.indirect_vreg.gather @!p1 [hbm4b:s8+s30], $0x80, v10, vm1, $0xb8;
	[tilespmem:$0x1B780] =	vst v63  }
0x131: {  	s3 =	simm.s32 @!p1 $0xEF80  }
0x132: {  	[tilespmem:s3], [sflag:$0x4] =	stream.indirect_vreg.gather @!p1 [hbm4b:s10+s30], $0x80, v10, vm1, $0xb8;
	[tilespmem:$0x1B780] =	vst v63  }
0x133: {  	s3 =	simm.s32 @!p1 $0xF780  }
0x134: {  	[tilespmem:s3], [sflag:$0x4] =	stream.indirect_vreg.gather @!p1 [hbm4b:s1+s30], $0x80, v6, vm1, $0xb8;
	[tilespmem:$0x1B780] =	vst v63  }
0x135: {  	s3 =	simm.s32 @!p1 $0xFF80  }
0x136: {  	[tilespmem:s3], [sflag:$0x4] =	stream.indirect_vreg.gather @!p1 [hbm4b:s8+s30], $0x80, v6, vm1, $0xb8;
	[tilespmem:$0x1B780] =	vst v63  }
0x137: {  	s3 =	simm.s32 @!p1 $0x10780  }
0x138: {  	[tilespmem:s3], [sflag:$0x4] =	stream.indirect_vreg.gather @!p1 [hbm4b:s10+s30], $0x80, v6, vm1, $0xb8;
	[tilespmem:$0x1B780] =	vst v63  }
0x139: {  	v6 =	vld.msk @!p1 [tilespmem:s29+$0x30], $0xff;
	_ =	sdelay $0x4  }
0x13a: {  	v10 =	vshrl.u32 @!p1 v6, $0x3  }
0x13b: {  	v10 =	vmul.u32 @!p1 $0x30, v10  }
0x13c: {  	v6 =	vand.u32 @!p1 $0x7, v6  }
0x13d: {  	v6 =	vor.u32 @!p1 v6, v10  }
0x13e: {  	v6 =	vperm.xlane @!p1 v6, v7;
	_ =	sdelay $0x1  }
0x13f: {  	v6 =	vadd.s32 @!p1 v9, v6;
	_ =	sdelay $0x3  }
0x140: {  	s3 =	simm.s32 @!p1 $0x10F80  }
0x141: {  	[tilespmem:s3], [sflag:$0x4] =	stream.indirect_vreg.gather @!p1 [hbm4b:s1+s30], $0x80, v6, vm1, $0xb8;
	[tilespmem:$0x1B780] =	vst v63  }
0x142: {  	s3 =	simm.s32 @!p1 $0x11780  }
0x143: {  	[tilespmem:s3], [sflag:$0x4] =	stream.indirect_vreg.gather @!p1 [hbm4b:s8+s30], $0x80, v6, vm1, $0xb8;
	[tilespmem:$0x1B780] =	vst v63  }
0x144: {  	s31 =	simm.s32 @!p1 $0x11F80;
	s3 =	rddreg [dreg:$0x7]  }
0x145: {  	[tilespmem:s31], [sflag:$0x4] =	stream.indirect_vreg.gather @!p1 [hbm4b:s10+s30], $0x80, v6, vm1, $0xb8;
	[tilespmem:$0x1B780] =	vst v63  }
0x146: {  	s3 =	sadd.s32 s26, s3  }
0x147: {  	[hbm4b:s3+s6] =	stream.linear.scatter [tilespmem:s2], [sflag:$0x7], $0x4800, $0x38;
	[tilespmem:$0x1B780] =	vst v63  }
0x148: {  	_ =	swait.ge [sflag:s17], $0x4800  }
0x149: {  	[sflag:s17] =	ssyncset.done $0x0  }
0x14a: {  	[sflag:s17] =	ssyncadd.s32 $0xFFFFB800  }
0x14b: {  	_ =	swait.ge [sflag:s20], $0x4800  }
0x14c: {  	[sflag:s20] =	ssyncset.done $0x0  }
0x14d: {  	[sflag:s20] =	ssyncadd.s32 $0xFFFFB800  }
0x14e: {  	v6 =	vld @!p1 [tilespmem:s29+$0x38];
	_ =	sdelay $0x4  }
0x14f: {  	v10 =	vshrl.u32 @!p1 v6, $0x3  }
0x150: {  	v10 =	vmul.u32 @!p1 $0x30, v10  }
0x151: {  	v6 =	vand.u32 @!p1 $0x7, v6  }
0x152: {  	v6 =	vor.u32 @!p1 v6, v10  }
0x153: {  	v10 =	vperm.xlane @!p1 v6, v7;
	_ =	sdelay $0x1  }
0x154: {  	v10 =	vadd.s32 @!p1 v9, v10;
	_ =	sdelay $0x3  }
0x155: {  	s3 =	simm.s32 @!p1 $0x12780;
	v6 =	vperm.xlane @!p1 v6, v8  }
0x156: {  	[tilespmem:s3], [sflag:$0x4] =	stream.indirect_vreg.gather @!p1 [hbm4b:s1+s30], $0x80, v10, vm1, $0xb8;
	[tilespmem:$0x1B780] =	vst v63  }
0x157: {  	v6 =	vadd.s32 @!p1 v9, v6;
	s3 =	simm.s32 @!p1 $0x12F80  }
0x158: {  	[tilespmem:s3], [sflag:$0x4] =	stream.indirect_vreg.gather @!p1 [hbm4b:s8+s30], $0x80, v10, vm1, $0xb8;
	[tilespmem:$0x1B780] =	vst v63  }
0x159: {  	s3 =	simm.s32 @!p1 $0x13780  }
0x15a: {  	[tilespmem:s3], [sflag:$0x4] =	stream.indirect_vreg.gather @!p1 [hbm4b:s10+s30], $0x80, v10, vm1, $0xb8;
	[tilespmem:$0x1B780] =	vst v63  }
0x15b: {  	s3 =	simm.s32 @!p1 $0x13F80  }
0x15c: {  	[tilespmem:s3], [sflag:$0x4] =	stream.indirect_vreg.gather @!p1 [hbm4b:s1+s30], $0x80, v6, vm1, $0xb8;
	[tilespmem:$0x1B780] =	vst v63  }
0x15d: {  	s3 =	simm.s32 @!p1 $0x14780  }
0x15e: {  	[tilespmem:s3], [sflag:$0x4] =	stream.indirect_vreg.gather @!p1 [hbm4b:s8+s30], $0x80, v6, vm1, $0xb8;
	[tilespmem:$0x1B780] =	vst v63  }
0x15f: {  	s3 =	simm.s32 @!p1 $0x14F80  }
0x160: {  	[tilespmem:s3], [sflag:$0x4] =	stream.indirect_vreg.gather @!p1 [hbm4b:s10+s30], $0x80, v6, vm1, $0xb8;
	[tilespmem:$0x1B780] =	vst v63  }
0x161: {  	v6 =	vld.msk @!p1 [tilespmem:s29+$0x48], $0xff;
	_ =	sdelay $0x4  }
0x162: {  	v8 =	vshrl.u32 @!p1 v6, $0x3  }
0x163: {  	v8 =	vmul.u32 @!p1 $0x30, v8  }
0x164: {  	v6 =	vand.u32 @!p1 $0x7, v6  }
0x165: {  	v6 =	vor.u32 @!p1 v6, v8  }
0x166: {  	v6 =	vperm.xlane @!p1 v6, v7;
	_ =	sdelay $0x1  }
0x167: {  	v6 =	vadd.s32 @!p1 v9, v6;
	_ =	sdelay $0x2  }
0x168: {  	s31 =	smov.u32 s28  }
0x169: {  	s26 =	sadd.s32 $0x2400, s26;
	s31 =	simm.s32 @p0 $0x48;
	s3 =	simm.s32 @!p1 $0x15780  }
0x16a: {  	[tilespmem:s3], [sflag:$0x4] =	stream.indirect_vreg.gather @!p1 [hbm4b:s1+s30], $0x80, v6, vm1, $0xb8;
	[tilespmem:$0x1B780] =	vst v63  }
0x16b: {  	p0 =	sne.s32 s26, $0x6C00;
	s31 =	sadd.s32 s5, s31;
	s3 =	simm.s32 @!p1 $0x15F80  }
0x16c: {  	[tilespmem:s3], [sflag:$0x4] =	stream.indirect_vreg.gather @!p1 [hbm4b:s8+s30], $0x80, v6, vm1, $0xb8;
	[tilespmem:$0x1B780] =	vst v63  }
.Ltmp2:
0x16d: {  	s3 =	sshrl.u32 s31, $0x3;
	(pc) =	sbr.rel @p0 .LBB2_6-.Ltmp2, $4  }
0x16e: {  	s31 =	simm.s32 @!p1 $0x16780;
	s3 =	smul.u32 $0x300, s3  }
0x16f: {  	[tilespmem:s31], [sflag:$0x4] =	stream.indirect_vreg.gather @!p1 [hbm4b:s10+s30], $0x80, v6, vm1, $0xb8;
	[tilespmem:$0x1B780] =	vst v63  }
0x170: {  	s28 =	sadd.s32 $0x60, s28;
	s29 =	sadd.s32 $0x60, s29;
	s3 =	sadd.s32 s4, s3  }
0x171: {  	[hbm4b:s3+s6] =	stream.linear.scatter [tilespmem:s23], [sflag:$0x8], $0x4800, $0x38;
	[tilespmem:$0x1B780] =	vst v63  }
0x172: {  	s25 =	sadd.s32 $0x1, s25  }
0x173: {  	_ =	swait.ge [sflag:s21], $0x4800;
	p0 =	sne.s32 s25, s12  }
.Ltmp3:
0x174: {  	[sflag:s21] =	ssyncset.done $0x0;
	(pc) =	sbr.rel @p0 .LBB2_1-.Ltmp3, $4  }
0x175: {  	[sflag:s21] =	ssyncadd.s32 $0xFFFFB800  }
0x176: {  	_ =	swait.ge [sflag:s22], $0x480  }
0x177: {  	[sflag:s22] =	ssyncset.done $0x0  }
0x178: {  	[sflag:s22] =	ssyncadd.s32 $0xFFFFFB80  }
0x179: {  	_ =	sfence.sel $0x180000  }
0x17a: {  	[bflag:$0x0] =	sbarrier.arrive $0xFFFF  }
0x17b: {  	_ =	strace $0x90000047  }
0x17c: {  	s0 =	stileid.u32;
	[bflag:$0x2] =	sbarrier.arrive $0xFFFF  }
0x17d: {  	p0 =	sne.s32 s0, $0x0;
	s0 =	rddreg [dreg:$0x4]  }
0x17e: {  	s0 =	sadd.s32 @!p0 $0x100000, s0  }
0x17f: {  	[sflag:s0] =	ssyncadd.tile.s32 @!p0 $0x1;
	_ =	shalt  }
.Lfunc_end2:
_tile_overlayer_lowered:
.L_overlay_start_2:
0x180: {  	(tag) =	ssettag $0x2  }
0x181: {  	s0 =	rddreg [dreg:$0x0];
	s2 =	stileid.u32  }
0x182: {  	s1 =	rddreg [dreg:$0x1];
	p0 =	sne.s32 s2, $0x0  }
0x183: {  	s3 =	rddreg [dreg:$0x2];
	[bflag:$0x3] =	sbarrier.arrive $0xFFFF;
	s2 =	simm.s32 @!p0 $0x1C09  }
0x184: {  	[timem:s3], [sflag:s2] =	dma.local @!p0 [hbm:s0], s1  }
0x185: {  	s0 =	simm.s32 @!p0 $0x9  }
0x186: {  	_ =	swait.ge @!p0 [sflag:s0], s1  }
0x187: {  	s1 =	ssub.s32 @!p0 $0x0, s1;
	[sflag:s0] =	ssyncset.done @!p0 $0x0  }
0x188: {  	[sflag:s0] =	ssyncadd.s32 @!p0 s1  }
0x189: {  	[bflag:$0x3] =	sbarrier.arrive $0xFFFF  }
0x18a: {  	_ =	shalt  }

</sc_bundles>
